<compile_context>
chip_gen: v7x
topology: tpu7x:2x2x1
jax: 0.10.2.dev20260603
libtpu: 0.0.44.dev20260713+nightly
codegen_flags: <defaults>
</compile_context>

<pallas_src>
import functools

import numpy as np

import jax
import jax.numpy as jnp
from jax import lax
from jax.experimental import pallas as pl
from jax.experimental.pallas import tpu as pltpu
from jax.experimental.pallas import tpu_sc as plsc

RES = 100
D = 64
N_ROWS = 16384
N_COLS = 20
NJP = N_COLS // 2
B = N_ROWS * N_COLS
P = B // 2
NC = 2
NS = 16
NW = NC * NS
RPW = N_ROWS // NW
PPW = P // NW
C = 256
NBUF = 2
UNROLL = 4

_MAGIC = np.float32(2.0 ** 23)
_LO = np.float32(1.0 / RES)
_ONE = np.float32(1.0)
_RESF = np.float32(RES)
_P101 = np.float32(101.0)


def _round_clip(v):
    xc = jnp.minimum(jnp.maximum(v, _LO), _ONE)
    return (xc * _RESF + _MAGIC) - _MAGIC


def _body(xe_hbm, xo_hbm, pe2_hbm, out_hbm, xe_v, xo_v, idx_v, *rest):
    rows = rest[:NBUF]
    gsem = rest[NBUF:2 * NBUF]
    ssem = rest[2 * NBUF:3 * NBUF]
    wid = lax.axis_index("s") * NC + lax.axis_index("c")
    base = wid * PPW
    r0 = wid * RPW

    pltpu.sync_copy(xe_hbm.at[pl.ds(base, PPW)], xe_v)
    pltpu.sync_copy(xo_hbm.at[pl.ds(base, PPW)], xo_v)

    iota10 = lax.iota(jnp.int32, 16) * np.int32(NJP)

    def cidx(s, carry):
        for u in range(UNROLL):
            t = s * UNROLL + u
            jp = t // (RPW // 16)
            tt = t % (RPW // 16)
            offs = iota10 + (tt * (16 * NJP) + jp)
            ge = plsc.load_gather(xe_v, [offs])
            go = plsc.load_gather(xo_v, [offs])
            pid = _round_clip(ge) * _RESF + _round_clip(go) - _P101
            idx_v[pl.ds(jp * RPW + tt * 16, 16)] = pid.astype(jnp.int32)
        return carry

    lax.fori_loop(0, PPW // (16 * UNROLL), cidx, 0)

    def fire_gather(g, h, b):
        pltpu.async_copy(
            pe2_hbm.at[idx_v.at[pl.ds(g * RPW + h * C, C)]], rows[b], gsem[b])

    def wait_gather(b):
        pltpu.make_async_copy(
            pe2_hbm.at[idx_v.at[pl.ds(0, C)]], rows[b], gsem[b]).wait()

    def fire_scatter(g, h, b):
        pltpu.async_copy(
            rows[b], out_hbm.at[g, pl.ds(r0 + h * C, C)], ssem[b])

    def wait_scatter(b):
        pltpu.make_async_copy(
            rows[b], out_hbm.at[0, pl.ds(0, C)], ssem[b]).wait()

    fire_gather(0, 0, 0)
    fire_gather(0, 1, 1)

    def group(g, carry):
        for b in range(NBUF):
            wait_gather(b)
            fire_scatter(g, b, b)
        for b in range(NBUF):
            wait_scatter(b)
            fire_gather(g + 1, b, b)
        return carry

    lax.fori_loop(0, NJP - 1, group, 0)

    for b in range(NBUF):
        wait_gather(b)
        fire_scatter(NJP - 1, b, b)
    for b in range(NBUF):
        wait_scatter(b)


@jax.jit
def _emb(xe, xo, pe2):
    mesh = plsc.VectorSubcoreMesh(core_axis_name="c", subcore_axis_name="s")
    k = pl.kernel(
        _body,
        out_type=jax.ShapeDtypeStruct((NJP, N_ROWS, 2 * D), jnp.float32),
        mesh=mesh,
        scratch_types=(
            [
                pltpu.VMEM((PPW,), jnp.float32),
                pltpu.VMEM((PPW,), jnp.float32),
                pltpu.VMEM((PPW,), jnp.int32),
            ]
            + [pltpu.VMEM((C, 2 * D), jnp.float32) for _ in range(NBUF)]
            + [pltpu.SemaphoreType.DMA for _ in range(2 * NBUF)]
        ),
        compiler_params=pltpu.CompilerParams(
            use_tc_tiling_on_sc=True, needs_layout_passes=False),
    )
    return k(xe, xo, pe2)


XR = 16384


def _xpose_body(in_ref, out_ref):
    a = in_ref[0]
    for sub in range(XR // 128):
        blk = a[sub * 128:(sub + 1) * 128, :]
        out_ref[:, :, sub * 128:(sub + 1) * 128] = blk.T.reshape(2, D, 128)


@jax.jit
def _xpose(mid):
    return pl.pallas_call(
        _xpose_body,
        grid=(NJP, N_ROWS // XR),
        in_specs=[pl.BlockSpec((1, XR, 128), lambda jp, rb: (jp, rb, 0))],
        out_specs=pl.BlockSpec((2, D, XR), lambda jp, rb: (jp, 0, rb)),
        out_shape=jax.ShapeDtypeStruct((N_COLS, D, N_ROWS), jnp.float32),
    )(mid)


def kernel(x, pe):
    xf = x.reshape(B)
    pe2 = jnp.concatenate(
        [
            jnp.repeat(pe, RES, axis=0),
            jnp.tile(pe, (RES, 1)),
        ],
        axis=1,
    )
    mid = _emb(xf[0::2], xf[1::2], pe2)
    out = _xpose(mid)
    return jnp.transpose(out, (2, 0, 1))

# --- scband reference (transcript-rebuilt; emitter-appended) ---
"""Pipeline reference for scband-stoichiometry-embedder-45354854646429 (READ-ONLY COPY).

The authoritative reference and input builder live on the scoring server;
editing this copy changes nothing except your own understanding.
"""

import jax, jax.numpy as jnp
import numpy as np

D_MODEL = 128
RES = 100
D_HALF = D_MODEL // 2


def _build_pe():
    x = jnp.linspace(0.0, RES - 1, RES).reshape(RES, 1)
    frac = jnp.tile(jnp.linspace(0.0, D_HALF - 1, D_HALF).reshape(1, D_HALF), (RES, 1))
    pe = jnp.zeros((RES, D_HALF), dtype=jnp.float32)
    pe = pe.at[:, 0::2].set(jnp.sin(x / jnp.power(50.0, 2.0 * frac[:, 0::2] / D_HALF)))
    pe = pe.at[:, 1::2].set(jnp.sin(x / jnp.power(50.0, 2.0 * frac[:, 1::2] / D_HALF)))
    return pe.astype(jnp.float32)


def setup_inputs(seed: int = 0):
    key = jax.random.key(seed)
    x = jax.random.uniform(key, (16384, 20), dtype=jnp.float32)
    return {"x": x, "pe": _build_pe()}


def reference(x, pe):
    # use_log10=False, so no log transformation
    xc = jnp.clip(x, 1.0 / RES, 1.0)
    frac_idx = jnp.round(xc * RES) - 1.0
    idx = frac_idx.astype(jnp.int32)
    out = jnp.take(pe, idx, axis=0)
    return out

if __name__ == "__main__":
    import jax
    _d = setup_inputs()
    print(jax.jit(kernel)(*tuple(_d.values())))

</pallas_src>

<mosaic_0001>
#map = affine_map<(d0, d1) -> (0)>
#map1 = affine_map<(d0, d1) -> (0, 0)>
#map2 = affine_map<(d0, d1) -> (0, 0, 0)>
module attributes {stable_mosaic.version = 14 : i64} {
  func.func @_body(%arg0: i32, %arg1: i32, %arg2: memref<163840xf32, #tpu.memory_space<hbm>>, %arg3: memref<163840xf32, #tpu.memory_space<hbm>>, %arg4: memref<10000x128xf32, #tpu.memory_space<hbm>>, %arg5: memref<10x16384x128xf32, #tpu.memory_space<hbm>>, %arg6: memref<5120xf32, #tpu.memory_space<vmem>>, %arg7: memref<5120xf32, #tpu.memory_space<vmem>>, %arg8: memref<5120xi32, #tpu.memory_space<vmem>>, %arg9: memref<256x128xf32, #tpu.memory_space<vmem>>, %arg10: memref<256x128xf32, #tpu.memory_space<vmem>>, %arg11: memref<!tpu.dma_semaphore, #tpu.memory_space<semaphore_mem>>, %arg12: memref<!tpu.dma_semaphore, #tpu.memory_space<semaphore_mem>>, %arg13: memref<!tpu.dma_semaphore, #tpu.memory_space<semaphore_mem>>, %arg14: memref<!tpu.dma_semaphore, #tpu.memory_space<semaphore_mem>>) attributes {dimension_semantics = [#tpu.dimension_semantics<core_parallel>, #tpu.dimension_semantics<subcore_parallel>], iteration_bounds = array<i64: 2, 16>, scalar_prefetch = 0 : i64, scratch_operands = 9 : i64, tpu.core_type = #tpu.core_type<sc_vector_subcore>, window_params = [{transform_indices = #map}, {transform_indices = #map}, {transform_indices = #map1}, {transform_indices = #map2}]} {
    %mul3A = arith.constant 2 : i32
    %mul3A_0 = arith.muli %arg1, %mul3A : i32
    %add3A = arith.addi %mul3A_0, %arg0 : i32
    %mul3A_1 = arith.constant 5120 : i32
    %mul3A_2 = arith.muli %add3A, %mul3A_1 : i32
    %mul3A_3 = arith.constant 512 : i32
    %mul3A_4 = arith.muli %add3A, %mul3A_3 : i32
    "tpu.region"() ({
      %run_scoped3A = tpu.sem_alloc : memref<!tpu.dma_semaphore, #tpu.memory_space<semaphore_mem>>
      %dma_start3A_73 = tpu.memref_slice %arg2[%mul3A_2] : memref<163840xf32, #tpu.memory_space<hbm>> -> memref<5120xf32, #tpu.memory_space<hbm>>
      %dma_start3A_74 = tpu.memref_slice %arg2[%mul3A_2] : memref<163840xf32, #tpu.memory_space<hbm>> -> memref<5120xf32, #tpu.memory_space<hbm>>
      tpu.enqueue_dma source(%dma_start3A_74 : memref<5120xf32, #tpu.memory_space<hbm>>) target(%arg6 : memref<5120xf32, #tpu.memory_space<vmem>>) target_semaphore(%run_scoped3A : memref<!tpu.dma_semaphore, #tpu.memory_space<semaphore_mem>>)
      %dma_wait3A_75 = tpu.memref_slice %arg2[%mul3A_2] : memref<163840xf32, #tpu.memory_space<hbm>> -> memref<5120xf32, #tpu.memory_space<hbm>>
      %dma_wait3A_76 = tpu.memref_slice %arg2[%mul3A_2] : memref<163840xf32, #tpu.memory_space<hbm>> -> memref<5120xf32, #tpu.memory_space<hbm>>
      tpu.wait_dma2 semaphore(%run_scoped3A : memref<!tpu.dma_semaphore, #tpu.memory_space<semaphore_mem>>) src(%dma_wait3A_76 : memref<5120xf32, #tpu.memory_space<hbm>>) dst(%arg6 : memref<5120xf32, #tpu.memory_space<vmem>>)
      tpu.yield
    }) : () -> ()
    "tpu.region"() ({
      %run_scoped3A = tpu.sem_alloc : memref<!tpu.dma_semaphore, #tpu.memory_space<semaphore_mem>>
      %dma_start3A_73 = tpu.memref_slice %arg3[%mul3A_2] : memref<163840xf32, #tpu.memory_space<hbm>> -> memref<5120xf32, #tpu.memory_space<hbm>>
      %dma_start3A_74 = tpu.memref_slice %arg3[%mul3A_2] : memref<163840xf32, #tpu.memory_space<hbm>> -> memref<5120xf32, #tpu.memory_space<hbm>>
      tpu.enqueue_dma source(%dma_start3A_74 : memref<5120xf32, #tpu.memory_space<hbm>>) target(%arg7 : memref<5120xf32, #tpu.memory_space<vmem>>) target_semaphore(%run_scoped3A : memref<!tpu.dma_semaphore, #tpu.memory_space<semaphore_mem>>)
      %dma_wait3A_75 = tpu.memref_slice %arg3[%mul3A_2] : memref<163840xf32, #tpu.memory_space<hbm>> -> memref<5120xf32, #tpu.memory_space<hbm>>
      %dma_wait3A_76 = tpu.memref_slice %arg3[%mul3A_2] : memref<163840xf32, #tpu.memory_space<hbm>> -> memref<5120xf32, #tpu.memory_space<hbm>>
      tpu.wait_dma2 semaphore(%run_scoped3A : memref<!tpu.dma_semaphore, #tpu.memory_space<semaphore_mem>>) src(%dma_wait3A_76 : memref<5120xf32, #tpu.memory_space<hbm>>) dst(%arg7 : memref<5120xf32, #tpu.memory_space<vmem>>)
      tpu.yield
    }) : () -> ()
    %iota3A = tpu.iota {dimensions = array<i32: 0>} : vector<16xi32>
    %mul3A_5 = arith.constant 10 : i32
    %mul3A_6 = vector.broadcast %mul3A_5 : i32 to vector<16xi32>
    %mul3A_7 = arith.muli %iota3A, %mul3A_6 : vector<16xi32>
    %scan3A = arith.constant 0 : i32
    %scan3A_8 = arith.constant 0 : i32
    %scan3A_9 = arith.constant 80 : i32
    %scan3A_10 = arith.addi %scan3A_8, %scan3A_9 : i32
    %scan3A_11 = arith.constant 1 : i32
    scf.for %scan3A_73 = %scan3A_8 to %scan3A_10 step %scan3A_11  : i32 {
      %mul3A_74 = arith.constant 4 : i32
      %mul3A_75 = arith.muli %scan3A_73, %mul3A_74 : i32
      %add3A_76 = arith.constant 0 : i32
      %add3A_77 = arith.addi %mul3A_75, %add3A_76 : i32
      %jit3A = arith.constant 32 : i32
      %div3A = arith.divsi %add3A_77, %jit3A : i32
      %sign3A = arith.constant 0 : i32
      %sign3A_78 = arith.cmpi sgt, %add3A_77, %sign3A : i32
      %sign3A_79 = arith.extui %sign3A_78 : i1 to i32
      %sign3A_80 = arith.constant 0 : i32
      %sign3A_81 = arith.cmpi slt, %add3A_77, %sign3A_80 : i32
      %sign3A_82 = arith.extui %sign3A_81 : i1 to i32
      %sign3A_83 = arith.subi %sign3A_79, %sign3A_82 : i32
      %sign3A_84 = arith.constant 0 : i32
      %sign3A_85 = arith.cmpi sgt, %jit3A, %sign3A_84 : i32
      %sign3A_86 = arith.extui %sign3A_85 : i1 to i32
      %sign3A_87 = arith.constant 0 : i32
      %sign3A_88 = arith.cmpi slt, %jit3A, %sign3A_87 : i32
      %sign3A_89 = arith.extui %sign3A_88 : i1 to i32
      %sign3A_90 = arith.subi %sign3A_86, %sign3A_89 : i32
      %ne3A = arith.cmpi ne, %sign3A_83, %sign3A_90 : i32
      %rem3A = arith.remsi %add3A_77, %jit3A : i32
      %ne3A_91 = arith.constant 0 : i32
      %ne3A_92 = arith.cmpi ne, %rem3A, %ne3A_91 : i32
      %and3A = arith.andi %ne3A, %ne3A_92 : i1
      %sub3A = arith.constant 1 : i32
      %sub3A_93 = arith.subi %div3A, %sub3A : i32
      %select_n3A = arith.select %and3A, %sub3A_93, %div3A : i32
      %jit3A_94 = arith.constant 32 : i32
      %eq3A = arith.constant 0 : i32
      %eq3A_95 = arith.cmpi eq, %jit3A_94, %eq3A : i32
      %jit3A_96 = arith.constant 1 : i32
      %select_n3A_97 = arith.select %eq3A_95, %jit3A_96, %jit3A_94 : i32
      %rem3A_98 = arith.remsi %add3A_77, %select_n3A_97 : i32
      %ne3A_99 = arith.constant 0 : i32
      %ne3A_100 = arith.cmpi ne, %rem3A_98, %ne3A_99 : i32
      %lt3A = arith.constant 0 : i32
      %lt3A_101 = arith.cmpi slt, %rem3A_98, %lt3A : i32
      %lt3A_102 = arith.constant 0 : i32
      %lt3A_103 = arith.cmpi slt, %select_n3A_97, %lt3A_102 : i32
      %ne3A_104 = arith.xori %lt3A_101, %lt3A_103 : i1
      %and3A_105 = arith.andi %ne3A_104, %ne3A_100 : i1
      %add3A_106 = arith.addi %rem3A_98, %select_n3A_97 : i32
      %select_n3A_107 = arith.select %and3A_105, %add3A_106, %rem3A_98 : i32
      %mul3A_108 = arith.constant 160 : i32
      %mul3A_109 = arith.muli %select_n3A_107, %mul3A_108 : i32
      %add3A_110 = arith.addi %mul3A_109, %select_n3A : i32
      %add3A_111 = vector.broadcast %add3A_110 : i32 to vector<16xi32>
      %add3A_112 = arith.addi %mul3A_7, %add3A_111 : vector<16xi32>
      %gather3A = tpu.vector_load_idx %arg6[%add3A_112] : memref<5120xf32, #tpu.memory_space<vmem>>[vector<16xi32>], vector<16xf32>,
      %gather3A_113 = tpu.vector_load_idx %arg7[%add3A_112] : memref<5120xf32, #tpu.memory_space<vmem>>[vector<16xi32>], vector<16xf32>,
      %max3A = arith.constant 0.00999999977 : f32
      %max3A_114 = vector.broadcast %max3A : f32 to vector<16xf32>
      %max3A_115 = arith.maximumf %gather3A, %max3A_114 : vector<16xf32>
      %min3A = arith.constant 1.000000e+00 : f32
      %min3A_116 = vector.broadcast %min3A : f32 to vector<16xf32>
      %min3A_117 = arith.minimumf %max3A_115, %min3A_116 : vector<16xf32>
      %mul3A_118 = arith.constant 1.000000e+02 : f32
      %mul3A_119 = vector.broadcast %mul3A_118 : f32 to vector<16xf32>
      %mul3A_120 = arith.mulf %min3A_117, %mul3A_119 : vector<16xf32>
      %add3A_121 = arith.constant 0x4B000000 : f32
      %add3A_122 = vector.broadcast %add3A_121 : f32 to vector<16xf32>
      %add3A_123 = arith.addf %mul3A_120, %add3A_122 : vector<16xf32>
      %sub3A_124 = arith.constant 0x4B000000 : f32
      %sub3A_125 = vector.broadcast %sub3A_124 : f32 to vector<16xf32>
      %sub3A_126 = arith.subf %add3A_123, %sub3A_125 : vector<16xf32>
      %mul3A_127 = arith.constant 1.000000e+02 : f32
      %mul3A_128 = vector.broadcast %mul3A_127 : f32 to vector<16xf32>
      %mul3A_129 = arith.mulf %sub3A_126, %mul3A_128 : vector<16xf32>
      %max3A_130 = arith.constant 0.00999999977 : f32
      %max3A_131 = vector.broadcast %max3A_130 : f32 to vector<16xf32>
      %max3A_132 = arith.maximumf %gather3A_113, %max3A_131 : vector<16xf32>
      %min3A_133 = arith.constant 1.000000e+00 : f32
      %min3A_134 = vector.broadcast %min3A_133 : f32 to vector<16xf32>
      %min3A_135 = arith.minimumf %max3A_132, %min3A_134 : vector<16xf32>
      %mul3A_136 = arith.constant 1.000000e+02 : f32
      %mul3A_137 = vector.broadcast %mul3A_136 : f32 to vector<16xf32>
      %mul3A_138 = arith.mulf %min3A_135, %mul3A_137 : vector<16xf32>
      %add3A_139 = arith.constant 0x4B000000 : f32
      %add3A_140 = vector.broadcast %add3A_139 : f32 to vector<16xf32>
      %add3A_141 = arith.addf %mul3A_138, %add3A_140 : vector<16xf32>
      %sub3A_142 = arith.constant 0x4B000000 : f32
      %sub3A_143 = vector.broadcast %sub3A_142 : f32 to vector<16xf32>
      %sub3A_144 = arith.subf %add3A_141, %sub3A_143 : vector<16xf32>
      %add3A_145 = arith.addf %mul3A_129, %sub3A_144 : vector<16xf32>
      %sub3A_146 = arith.constant 1.010000e+02 : f32
      %sub3A_147 = vector.broadcast %sub3A_146 : f32 to vector<16xf32>
      %sub3A_148 = arith.subf %add3A_145, %sub3A_147 : vector<16xf32>
      %convert_element_type3A = arith.fptosi %sub3A_148 : vector<16xf32> to vector<16xi32>
      %mul3A_149 = arith.constant 512 : i32
      %mul3A_150 = arith.muli %select_n3A, %mul3A_149 : i32
      %mul3A_151 = arith.constant 16 : i32
      %mul3A_152 = arith.muli %select_n3A_107, %mul3A_151 : i32
      %add3A_153 = arith.addi %mul3A_150, %mul3A_152 : i32
      %swap3A = arith.index_cast %add3A_153 : i32 to index
      %swap3A_154 = tpu.vector_load %arg8[%swap3A] {strides = array<i32>} : memref<5120xi32, #tpu.memory_space<vmem>>, vector<16xi32>,
      tpu.vector_store %arg8[%swap3A], %convert_element_type3A {strides = array<i32>} : memref<5120xi32, #tpu.memory_space<vmem>>, vector<16xi32>,
      %mul3A_155 = arith.constant 4 : i32
      %mul3A_156 = arith.muli %scan3A_73, %mul3A_155 : i32
      %add3A_157 = arith.constant 1 : i32
      %add3A_158 = arith.addi %mul3A_156, %add3A_157 : i32
      %jit3A_159 = arith.constant 32 : i32
      %div3A_160 = arith.divsi %add3A_158, %jit3A_159 : i32
      %sign3A_161 = arith.constant 0 : i32
      %sign3A_162 = arith.cmpi sgt, %add3A_158, %sign3A_161 : i32
      %sign3A_163 = arith.extui %sign3A_162 : i1 to i32
      %sign3A_164 = arith.constant 0 : i32
      %sign3A_165 = arith.cmpi slt, %add3A_158, %sign3A_164 : i32
      %sign3A_166 = arith.extui %sign3A_165 : i1 to i32
      %sign3A_167 = arith.subi %sign3A_163, %sign3A_166 : i32
      %sign3A_168 = arith.constant 0 : i32
      %sign3A_169 = arith.cmpi sgt, %jit3A_159, %sign3A_168 : i32
      %sign3A_170 = arith.extui %sign3A_169 : i1 to i32
      %sign3A_171 = arith.constant 0 : i32
      %sign3A_172 = arith.cmpi slt, %jit3A_159, %sign3A_171 : i32
      %sign3A_173 = arith.extui %sign3A_172 : i1 to i32
      %sign3A_174 = arith.subi %sign3A_170, %sign3A_173 : i32
      %ne3A_175 = arith.cmpi ne, %sign3A_167, %sign3A_174 : i32
      %rem3A_176 = arith.remsi %add3A_158, %jit3A_159 : i32
      %ne3A_177 = arith.constant 0 : i32
      %ne3A_178 = arith.cmpi ne, %rem3A_176, %ne3A_177 : i32
      %and3A_179 = arith.andi %ne3A_175, %ne3A_178 : i1
      %sub3A_180 = arith.constant 1 : i32
      %sub3A_181 = arith.subi %div3A_160, %sub3A_180 : i32
      %select_n3A_182 = arith.select %and3A_179, %sub3A_181, %div3A_160 : i32
      %jit3A_183 = arith.constant 32 : i32
      %eq3A_184 = arith.constant 0 : i32
      %eq3A_185 = arith.cmpi eq, %jit3A_183, %eq3A_184 : i32
      %jit3A_186 = arith.constant 1 : i32
      %select_n3A_187 = arith.select %eq3A_185, %jit3A_186, %jit3A_183 : i32
      %rem3A_188 = arith.remsi %add3A_158, %select_n3A_187 : i32
      %ne3A_189 = arith.constant 0 : i32
      %ne3A_190 = arith.cmpi ne, %rem3A_188, %ne3A_189 : i32
      %lt3A_191 = arith.constant 0 : i32
      %lt3A_192 = arith.cmpi slt, %rem3A_188, %lt3A_191 : i32
      %lt3A_193 = arith.constant 0 : i32
      %lt3A_194 = arith.cmpi slt, %select_n3A_187, %lt3A_193 : i32
      %ne3A_195 = arith.xori %lt3A_192, %lt3A_194 : i1
      %and3A_196 = arith.andi %ne3A_195, %ne3A_190 : i1
      %add3A_197 = arith.addi %rem3A_188, %select_n3A_187 : i32
      %select_n3A_198 = arith.select %and3A_196, %add3A_197, %rem3A_188 : i32
      %mul3A_199 = arith.constant 160 : i32
      %mul3A_200 = arith.muli %select_n3A_198, %mul3A_199 : i32
      %add3A_201 = arith.addi %mul3A_200, %select_n3A_182 : i32
      %add3A_202 = vector.broadcast %add3A_201 : i32 to vector<16xi32>
      %add3A_203 = arith.addi %mul3A_7, %add3A_202 : vector<16xi32>
      %gather3A_204 = tpu.vector_load_idx %arg6[%add3A_203] : memref<5120xf32, #tpu.memory_space<vmem>>[vector<16xi32>], vector<16xf32>,
      %gather3A_205 = tpu.vector_load_idx %arg7[%add3A_203] : memref<5120xf32, #tpu.memory_space<vmem>>[vector<16xi32>], vector<16xf32>,
      %max3A_206 = arith.constant 0.00999999977 : f32
      %max3A_207 = vector.broadcast %max3A_206 : f32 to vector<16xf32>
      %max3A_208 = arith.maximumf %gather3A_204, %max3A_207 : vector<16xf32>
      %min3A_209 = arith.constant 1.000000e+00 : f32
      %min3A_210 = vector.broadcast %min3A_209 : f32 to vector<16xf32>
      %min3A_211 = arith.minimumf %max3A_208, %min3A_210 : vector<16xf32>
      %mul3A_212 = arith.constant 1.000000e+02 : f32
      %mul3A_213 = vector.broadcast %mul3A_212 : f32 to vector<16xf32>
      %mul3A_214 = arith.mulf %min3A_211, %mul3A_213 : vector<16xf32>
      %add3A_215 = arith.constant 0x4B000000 : f32
      %add3A_216 = vector.broadcast %add3A_215 : f32 to vector<16xf32>
      %add3A_217 = arith.addf %mul3A_214, %add3A_216 : vector<16xf32>
      %sub3A_218 = arith.constant 0x4B000000 : f32
      %sub3A_219 = vector.broadcast %sub3A_218 : f32 to vector<16xf32>
      %sub3A_220 = arith.subf %add3A_217, %sub3A_219 : vector<16xf32>
      %mul3A_221 = arith.constant 1.000000e+02 : f32
      %mul3A_222 = vector.broadcast %mul3A_221 : f32 to vector<16xf32>
      %mul3A_223 = arith.mulf %sub3A_220, %mul3A_222 : vector<16xf32>
      %max3A_224 = arith.constant 0.00999999977 : f32
      %max3A_225 = vector.broadcast %max3A_224 : f32 to vector<16xf32>
      %max3A_226 = arith.maximumf %gather3A_205, %max3A_225 : vector<16xf32>
      %min3A_227 = arith.constant 1.000000e+00 : f32
      %min3A_228 = vector.broadcast %min3A_227 : f32 to vector<16xf32>
      %min3A_229 = arith.minimumf %max3A_226, %min3A_228 : vector<16xf32>
      %mul3A_230 = arith.constant 1.000000e+02 : f32
      %mul3A_231 = vector.broadcast %mul3A_230 : f32 to vector<16xf32>
      %mul3A_232 = arith.mulf %min3A_229, %mul3A_231 : vector<16xf32>
      %add3A_233 = arith.constant 0x4B000000 : f32
      %add3A_234 = vector.broadcast %add3A_233 : f32 to vector<16xf32>
      %add3A_235 = arith.addf %mul3A_232, %add3A_234 : vector<16xf32>
      %sub3A_236 = arith.constant 0x4B000000 : f32
      %sub3A_237 = vector.broadcast %sub3A_236 : f32 to vector<16xf32>
      %sub3A_238 = arith.subf %add3A_235, %sub3A_237 : vector<16xf32>
      %add3A_239 = arith.addf %mul3A_223, %sub3A_238 : vector<16xf32>
      %sub3A_240 = arith.constant 1.010000e+02 : f32
      %sub3A_241 = vector.broadcast %sub3A_240 : f32 to vector<16xf32>
      %sub3A_242 = arith.subf %add3A_239, %sub3A_241 : vector<16xf32>
      %convert_element_type3A_243 = arith.fptosi %sub3A_242 : vector<16xf32> to vector<16xi32>
      %mul3A_244 = arith.constant 512 : i32
      %mul3A_245 = arith.muli %select_n3A_182, %mul3A_244 : i32
      %mul3A_246 = arith.constant 16 : i32
      %mul3A_247 = arith.muli %select_n3A_198, %mul3A_246 : i32
      %add3A_248 = arith.addi %mul3A_245, %mul3A_247 : i32
      %swap3A_249 = arith.index_cast %add3A_248 : i32 to index
      %swap3A_250 = tpu.vector_load %arg8[%swap3A_249] {strides = array<i32>} : memref<5120xi32, #tpu.memory_space<vmem>>, vector<16xi32>,
      tpu.vector_store %arg8[%swap3A_249], %convert_element_type3A_243 {strides = array<i32>} : memref<5120xi32, #tpu.memory_space<vmem>>, vector<16xi32>,
      %mul3A_251 = arith.constant 4 : i32
      %mul3A_252 = arith.muli %scan3A_73, %mul3A_251 : i32
      %add3A_253 = arith.constant 2 : i32
      %add3A_254 = arith.addi %mul3A_252, %add3A_253 : i32
      %jit3A_255 = arith.constant 32 : i32
      %div3A_256 = arith.divsi %add3A_254, %jit3A_255 : i32
      %sign3A_257 = arith.constant 0 : i32
      %sign3A_258 = arith.cmpi sgt, %add3A_254, %sign3A_257 : i32
      %sign3A_259 = arith.extui %sign3A_258 : i1 to i32
      %sign3A_260 = arith.constant 0 : i32
      %sign3A_261 = arith.cmpi slt, %add3A_254, %sign3A_260 : i32
      %sign3A_262 = arith.extui %sign3A_261 : i1 to i32
      %sign3A_263 = arith.subi %sign3A_259, %sign3A_262 : i32
      %sign3A_264 = arith.constant 0 : i32
      %sign3A_265 = arith.cmpi sgt, %jit3A_255, %sign3A_264 : i32
      %sign3A_266 = arith.extui %sign3A_265 : i1 to i32
      %sign3A_267 = arith.constant 0 : i32
      %sign3A_268 = arith.cmpi slt, %jit3A_255, %sign3A_267 : i32
      %sign3A_269 = arith.extui %sign3A_268 : i1 to i32
      %sign3A_270 = arith.subi %sign3A_266, %sign3A_269 : i32
      %ne3A_271 = arith.cmpi ne, %sign3A_263, %sign3A_270 : i32
      %rem3A_272 = arith.remsi %add3A_254, %jit3A_255 : i32
      %ne3A_273 = arith.constant 0 : i32
      %ne3A_274 = arith.cmpi ne, %rem3A_272, %ne3A_273 : i32
      %and3A_275 = arith.andi %ne3A_271, %ne3A_274 : i1
      %sub3A_276 = arith.constant 1 : i32
      %sub3A_277 = arith.subi %div3A_256, %sub3A_276 : i32
      %select_n3A_278 = arith.select %and3A_275, %sub3A_277, %div3A_256 : i32
      %jit3A_279 = arith.constant 32 : i32
      %eq3A_280 = arith.constant 0 : i32
      %eq3A_281 = arith.cmpi eq, %jit3A_279, %eq3A_280 : i32
      %jit3A_282 = arith.constant 1 : i32
      %select_n3A_283 = arith.select %eq3A_281, %jit3A_282, %jit3A_279 : i32
      %rem3A_284 = arith.remsi %add3A_254, %select_n3A_283 : i32
      %ne3A_285 = arith.constant 0 : i32
      %ne3A_286 = arith.cmpi ne, %rem3A_284, %ne3A_285 : i32
      %lt3A_287 = arith.constant 0 : i32
      %lt3A_288 = arith.cmpi slt, %rem3A_284, %lt3A_287 : i32
      %lt3A_289 = arith.constant 0 : i32
      %lt3A_290 = arith.cmpi slt, %select_n3A_283, %lt3A_289 : i32
      %ne3A_291 = arith.xori %lt3A_288, %lt3A_290 : i1
      %and3A_292 = arith.andi %ne3A_291, %ne3A_286 : i1
      %add3A_293 = arith.addi %rem3A_284, %select_n3A_283 : i32
      %select_n3A_294 = arith.select %and3A_292, %add3A_293, %rem3A_284 : i32
      %mul3A_295 = arith.constant 160 : i32
      %mul3A_296 = arith.muli %select_n3A_294, %mul3A_295 : i32
      %add3A_297 = arith.addi %mul3A_296, %select_n3A_278 : i32
      %add3A_298 = vector.broadcast %add3A_297 : i32 to vector<16xi32>
      %add3A_299 = arith.addi %mul3A_7, %add3A_298 : vector<16xi32>
      %gather3A_300 = tpu.vector_load_idx %arg6[%add3A_299] : memref<5120xf32, #tpu.memory_space<vmem>>[vector<16xi32>], vector<16xf32>,
      %gather3A_301 = tpu.vector_load_idx %arg7[%add3A_299] : memref<5120xf32, #tpu.memory_space<vmem>>[vector<16xi32>], vector<16xf32>,
      %max3A_302 = arith.constant 0.00999999977 : f32
      %max3A_303 = vector.broadcast %max3A_302 : f32 to vector<16xf32>
      %max3A_304 = arith.maximumf %gather3A_300, %max3A_303 : vector<16xf32>
      %min3A_305 = arith.constant 1.000000e+00 : f32
      %min3A_306 = vector.broadcast %min3A_305 : f32 to vector<16xf32>
      %min3A_307 = arith.minimumf %max3A_304, %min3A_306 : vector<16xf32>
      %mul3A_308 = arith.constant 1.000000e+02 : f32
      %mul3A_309 = vector.broadcast %mul3A_308 : f32 to vector<16xf32>
      %mul3A_310 = arith.mulf %min3A_307, %mul3A_309 : vector<16xf32>
      %add3A_311 = arith.constant 0x4B000000 : f32
      %add3A_312 = vector.broadcast %add3A_311 : f32 to vector<16xf32>
      %add3A_313 = arith.addf %mul3A_310, %add3A_312 : vector<16xf32>
      %sub3A_314 = arith.constant 0x4B000000 : f32
      %sub3A_315 = vector.broadcast %sub3A_314 : f32 to vector<16xf32>
      %sub3A_316 = arith.subf %add3A_313, %sub3A_315 : vector<16xf32>
      %mul3A_317 = arith.constant 1.000000e+02 : f32
      %mul3A_318 = vector.broadcast %mul3A_317 : f32 to vector<16xf32>
      %mul3A_319 = arith.mulf %sub3A_316, %mul3A_318 : vector<16xf32>
      %max3A_320 = arith.constant 0.00999999977 : f32
      %max3A_321 = vector.broadcast %max3A_320 : f32 to vector<16xf32>
      %max3A_322 = arith.maximumf %gather3A_301, %max3A_321 : vector<16xf32>
      %min3A_323 = arith.constant 1.000000e+00 : f32
      %min3A_324 = vector.broadcast %min3A_323 : f32 to vector<16xf32>
      %min3A_325 = arith.minimumf %max3A_322, %min3A_324 : vector<16xf32>
      %mul3A_326 = arith.constant 1.000000e+02 : f32
      %mul3A_327 = vector.broadcast %mul3A_326 : f32 to vector<16xf32>
      %mul3A_328 = arith.mulf %min3A_325, %mul3A_327 : vector<16xf32>
      %add3A_329 = arith.constant 0x4B000000 : f32
      %add3A_330 = vector.broadcast %add3A_329 : f32 to vector<16xf32>
      %add3A_331 = arith.addf %mul3A_328, %add3A_330 : vector<16xf32>
      %sub3A_332 = arith.constant 0x4B000000 : f32
      %sub3A_333 = vector.broadcast %sub3A_332 : f32 to vector<16xf32>
      %sub3A_334 = arith.subf %add3A_331, %sub3A_333 : vector<16xf32>
      %add3A_335 = arith.addf %mul3A_319, %sub3A_334 : vector<16xf32>
      %sub3A_336 = arith.constant 1.010000e+02 : f32
      %sub3A_337 = vector.broadcast %sub3A_336 : f32 to vector<16xf32>
      %sub3A_338 = arith.subf %add3A_335, %sub3A_337 : vector<16xf32>
      %convert_element_type3A_339 = arith.fptosi %sub3A_338 : vector<16xf32> to vector<16xi32>
      %mul3A_340 = arith.constant 512 : i32
      %mul3A_341 = arith.muli %select_n3A_278, %mul3A_340 : i32
      %mul3A_342 = arith.constant 16 : i32
      %mul3A_343 = arith.muli %select_n3A_294, %mul3A_342 : i32
      %add3A_344 = arith.addi %mul3A_341, %mul3A_343 : i32
      %swap3A_345 = arith.index_cast %add3A_344 : i32 to index
      %swap3A_346 = tpu.vector_load %arg8[%swap3A_345] {strides = array<i32>} : memref<5120xi32, #tpu.memory_space<vmem>>, vector<16xi32>,
      tpu.vector_store %arg8[%swap3A_345], %convert_element_type3A_339 {strides = array<i32>} : memref<5120xi32, #tpu.memory_space<vmem>>, vector<16xi32>,
      %mul3A_347 = arith.constant 4 : i32
      %mul3A_348 = arith.muli %scan3A_73, %mul3A_347 : i32
      %add3A_349 = arith.constant 3 : i32
      %add3A_350 = arith.addi %mul3A_348, %add3A_349 : i32
      %jit3A_351 = arith.constant 32 : i32
      %div3A_352 = arith.divsi %add3A_350, %jit3A_351 : i32
      %sign3A_353 = arith.constant 0 : i32
      %sign3A_354 = arith.cmpi sgt, %add3A_350, %sign3A_353 : i32
      %sign3A_355 = arith.extui %sign3A_354 : i1 to i32
      %sign3A_356 = arith.constant 0 : i32
      %sign3A_357 = arith.cmpi slt, %add3A_350, %sign3A_356 : i32
      %sign3A_358 = arith.extui %sign3A_357 : i1 to i32
      %sign3A_359 = arith.subi %sign3A_355, %sign3A_358 : i32
      %sign3A_360 = arith.constant 0 : i32
      %sign3A_361 = arith.cmpi sgt, %jit3A_351, %sign3A_360 : i32
      %sign3A_362 = arith.extui %sign3A_361 : i1 to i32
      %sign3A_363 = arith.constant 0 : i32
      %sign3A_364 = arith.cmpi slt, %jit3A_351, %sign3A_363 : i32
      %sign3A_365 = arith.extui %sign3A_364 : i1 to i32
      %sign3A_366 = arith.subi %sign3A_362, %sign3A_365 : i32
      %ne3A_367 = arith.cmpi ne, %sign3A_359, %sign3A_366 : i32
      %rem3A_368 = arith.remsi %add3A_350, %jit3A_351 : i32
      %ne3A_369 = arith.constant 0 : i32
      %ne3A_370 = arith.cmpi ne, %rem3A_368, %ne3A_369 : i32
      %and3A_371 = arith.andi %ne3A_367, %ne3A_370 : i1
      %sub3A_372 = arith.constant 1 : i32
      %sub3A_373 = arith.subi %div3A_352, %sub3A_372 : i32
      %select_n3A_374 = arith.select %and3A_371, %sub3A_373, %div3A_352 : i32
      %jit3A_375 = arith.constant 32 : i32
      %eq3A_376 = arith.constant 0 : i32
      %eq3A_377 = arith.cmpi eq, %jit3A_375, %eq3A_376 : i32
      %jit3A_378 = arith.constant 1 : i32
      %select_n3A_379 = arith.select %eq3A_377, %jit3A_378, %jit3A_375 : i32
      %rem3A_380 = arith.remsi %add3A_350, %select_n3A_379 : i32
      %ne3A_381 = arith.constant 0 : i32
      %ne3A_382 = arith.cmpi ne, %rem3A_380, %ne3A_381 : i32
      %lt3A_383 = arith.constant 0 : i32
      %lt3A_384 = arith.cmpi slt, %rem3A_380, %lt3A_383 : i32
      %lt3A_385 = arith.constant 0 : i32
      %lt3A_386 = arith.cmpi slt, %select_n3A_379, %lt3A_385 : i32
      %ne3A_387 = arith.xori %lt3A_384, %lt3A_386 : i1
      %and3A_388 = arith.andi %ne3A_387, %ne3A_382 : i1
      %add3A_389 = arith.addi %rem3A_380, %select_n3A_379 : i32
      %select_n3A_390 = arith.select %and3A_388, %add3A_389, %rem3A_380 : i32
      %mul3A_391 = arith.constant 160 : i32
      %mul3A_392 = arith.muli %select_n3A_390, %mul3A_391 : i32
      %add3A_393 = arith.addi %mul3A_392, %select_n3A_374 : i32
      %add3A_394 = vector.broadcast %add3A_393 : i32 to vector<16xi32>
      %add3A_395 = arith.addi %mul3A_7, %add3A_394 : vector<16xi32>
      %gather3A_396 = tpu.vector_load_idx %arg6[%add3A_395] : memref<5120xf32, #tpu.memory_space<vmem>>[vector<16xi32>], vector<16xf32>,
      %gather3A_397 = tpu.vector_load_idx %arg7[%add3A_395] : memref<5120xf32, #tpu.memory_space<vmem>>[vector<16xi32>], vector<16xf32>,
      %max3A_398 = arith.constant 0.00999999977 : f32
      %max3A_399 = vector.broadcast %max3A_398 : f32 to vector<16xf32>
      %max3A_400 = arith.maximumf %gather3A_396, %max3A_399 : vector<16xf32>
      %min3A_401 = arith.constant 1.000000e+00 : f32
      %min3A_402 = vector.broadcast %min3A_401 : f32 to vector<16xf32>
      %min3A_403 = arith.minimumf %max3A_400, %min3A_402 : vector<16xf32>
      %mul3A_404 = arith.constant 1.000000e+02 : f32
      %mul3A_405 = vector.broadcast %mul3A_404 : f32 to vector<16xf32>
      %mul3A_406 = arith.mulf %min3A_403, %mul3A_405 : vector<16xf32>
      %add3A_407 = arith.constant 0x4B000000 : f32
      %add3A_408 = vector.broadcast %add3A_407 : f32 to vector<16xf32>
      %add3A_409 = arith.addf %mul3A_406, %add3A_408 : vector<16xf32>
      %sub3A_410 = arith.constant 0x4B000000 : f32
      %sub3A_411 = vector.broadcast %sub3A_410 : f32 to vector<16xf32>
      %sub3A_412 = arith.subf %add3A_409, %sub3A_411 : vector<16xf32>
      %mul3A_413 = arith.constant 1.000000e+02 : f32
      %mul3A_414 = vector.broadcast %mul3A_413 : f32 to vector<16xf32>
      %mul3A_415 = arith.mulf %sub3A_412, %mul3A_414 : vector<16xf32>
      %max3A_416 = arith.constant 0.00999999977 : f32
      %max3A_417 = vector.broadcast %max3A_416 : f32 to vector<16xf32>
      %max3A_418 = arith.maximumf %gather3A_397, %max3A_417 : vector<16xf32>
      %min3A_419 = arith.constant 1.000000e+00 : f32
      %min3A_420 = vector.broadcast %min3A_419 : f32 to vector<16xf32>
      %min3A_421 = arith.minimumf %max3A_418, %min3A_420 : vector<16xf32>
      %mul3A_422 = arith.constant 1.000000e+02 : f32
      %mul3A_423 = vector.broadcast %mul3A_422 : f32 to vector<16xf32>
      %mul3A_424 = arith.mulf %min3A_421, %mul3A_423 : vector<16xf32>
      %add3A_425 = arith.constant 0x4B000000 : f32
      %add3A_426 = vector.broadcast %add3A_425 : f32 to vector<16xf32>
      %add3A_427 = arith.addf %mul3A_424, %add3A_426 : vector<16xf32>
      %sub3A_428 = arith.constant 0x4B000000 : f32
      %sub3A_429 = vector.broadcast %sub3A_428 : f32 to vector<16xf32>
      %sub3A_430 = arith.subf %add3A_427, %sub3A_429 : vector<16xf32>
      %add3A_431 = arith.addf %mul3A_415, %sub3A_430 : vector<16xf32>
      %sub3A_432 = arith.constant 1.010000e+02 : f32
      %sub3A_433 = vector.broadcast %sub3A_432 : f32 to vector<16xf32>
      %sub3A_434 = arith.subf %add3A_431, %sub3A_433 : vector<16xf32>
      %convert_element_type3A_435 = arith.fptosi %sub3A_434 : vector<16xf32> to vector<16xi32>
      %mul3A_436 = arith.constant 512 : i32
      %mul3A_437 = arith.muli %select_n3A_374, %mul3A_436 : i32
      %mul3A_438 = arith.constant 16 : i32
      %mul3A_439 = arith.muli %select_n3A_390, %mul3A_438 : i32
      %add3A_440 = arith.addi %mul3A_437, %mul3A_439 : i32
      %swap3A_441 = arith.index_cast %add3A_440 : i32 to index
      %swap3A_442 = tpu.vector_load %arg8[%swap3A_441] {strides = array<i32>} : memref<5120xi32, #tpu.memory_space<vmem>>, vector<16xi32>,
      tpu.vector_store %arg8[%swap3A_441], %convert_element_type3A_435 {strides = array<i32>} : memref<5120xi32, #tpu.memory_space<vmem>>, vector<16xi32>,
    }
    %scan3A_12 = arith.constant 80 : i32
    %dma_start3A = arith.constant 0 : i32
    %dma_start3A_13 = tpu.memref_slice %arg8[%dma_start3A] : memref<5120xi32, #tpu.memory_space<vmem>> -> memref<256xi32, #tpu.memory_space<vmem>>
    %dma_start3A_14 = arith.constant 0 : i32
    %dma_start3A_15 = arith.constant 0 : i32
    %dma_start3A_16 = tpu.memref_slice %arg4[%dma_start3A_14, %dma_start3A_15] : memref<10000x128xf32, #tpu.memory_space<hbm>> -> memref<10000x128xf32, #tpu.memory_space<hbm>>
    tpu.enqueue_indirect_dma source(%dma_start3A_16 : memref<10000x128xf32, #tpu.memory_space<hbm>>) target(%arg9 : memref<256x128xf32, #tpu.memory_space<vmem>>) offsets(%dma_start3A_13 : memref<256xi32, #tpu.memory_space<vmem>>) semaphore(%arg11 : memref<!tpu.dma_semaphore, #tpu.memory_space<semaphore_mem>>)
    %dma_start3A_17 = arith.constant 256 : i32
    %dma_start3A_18 = tpu.memref_slice %arg8[%dma_start3A_17] : memref<5120xi32, #tpu.memory_space<vmem>> -> memref<256xi32, #tpu.memory_space<vmem>>
    %dma_start3A_19 = arith.constant 0 : i32
    %dma_start3A_20 = arith.constant 0 : i32
    %dma_start3A_21 = tpu.memref_slice %arg4[%dma_start3A_19, %dma_start3A_20] : memref<10000x128xf32, #tpu.memory_space<hbm>> -> memref<10000x128xf32, #tpu.memory_space<hbm>>
    tpu.enqueue_indirect_dma source(%dma_start3A_21 : memref<10000x128xf32, #tpu.memory_space<hbm>>) target(%arg10 : memref<256x128xf32, #tpu.memory_space<vmem>>) offsets(%dma_start3A_18 : memref<256xi32, #tpu.memory_space<vmem>>) semaphore(%arg12 : memref<!tpu.dma_semaphore, #tpu.memory_space<semaphore_mem>>)
    %scan3A_22 = arith.constant 0 : i32
    %scan3A_23 = arith.constant 0 : i32
    %scan3A_24 = arith.constant 9 : i32
    %scan3A_25 = arith.addi %scan3A_23, %scan3A_24 : i32
    %scan3A_26 = arith.constant 1 : i32
    scf.for %scan3A_73 = %scan3A_23 to %scan3A_25 step %scan3A_26  : i32 {
      %dma_wait3A_74 = arith.constant 0 : i32
      %dma_wait3A_75 = tpu.memref_slice %arg8[%dma_wait3A_74] : memref<5120xi32, #tpu.memory_space<vmem>> -> memref<256xi32, #tpu.memory_space<vmem>>
      %dma_wait3A_76 = arith.constant 0 : i32
      %dma_wait3A_77 = arith.constant 0 : i32
      %dma_wait3A_78 = tpu.memref_slice %arg4[%dma_wait3A_76, %dma_wait3A_77] : memref<10000x128xf32, #tpu.memory_space<hbm>> -> memref<10000x128xf32, #tpu.memory_space<hbm>>
      tpu.wait_indirect_dma semaphore(%arg11 : memref<!tpu.dma_semaphore, #tpu.memory_space<semaphore_mem>>) src(%dma_wait3A_78 : memref<10000x128xf32, #tpu.memory_space<hbm>>) dst(%arg9 : memref<256x128xf32, #tpu.memory_space<vmem>>)
      %add3A_79 = arith.constant 0 : i32
      %add3A_80 = arith.addi %mul3A_4, %add3A_79 : i32
      %dma_start3A_81 = arith.constant 0 : i32
      %dma_start3A_82 = tpu.memref_slice %arg5[%scan3A_73, %add3A_80, %dma_start3A_81] : memref<10x16384x128xf32, #tpu.memory_space<hbm>> -> memref<1x256x128xf32, #tpu.memory_space<hbm>>
      %dma_start3A_83 = tpu.memref_squeeze %dma_start3A_82 : memref<1x256x128xf32, #tpu.memory_space<hbm>> -> memref<256x128xf32, #tpu.memory_space<hbm>>
      %dma_start3A_84 = arith.constant 0 : i32
      %dma_start3A_85 = tpu.memref_slice %arg5[%scan3A_73, %add3A_80, %dma_start3A_84] : memref<10x16384x128xf32, #tpu.memory_space<hbm>> -> memref<1x256x128xf32, #tpu.memory_space<hbm>>
      %dma_start3A_86 = tpu.memref_squeeze %dma_start3A_85 : memref<1x256x128xf32, #tpu.memory_space<hbm>> -> memref<256x128xf32, #tpu.memory_space<hbm>>
      tpu.enqueue_dma source(%arg9 : memref<256x128xf32, #tpu.memory_space<vmem>>) target(%dma_start3A_86 : memref<256x128xf32, #tpu.memory_space<hbm>>) target_semaphore(%arg13 : memref<!tpu.dma_semaphore, #tpu.memory_space<semaphore_mem>>)
      %dma_wait3A_87 = arith.constant 0 : i32
      %dma_wait3A_88 = tpu.memref_slice %arg8[%dma_wait3A_87] : memref<5120xi32, #tpu.memory_space<vmem>> -> memref<256xi32, #tpu.memory_space<vmem>>
      %dma_wait3A_89 = arith.constant 0 : i32
      %dma_wait3A_90 = arith.constant 0 : i32
      %dma_wait3A_91 = tpu.memref_slice %arg4[%dma_wait3A_89, %dma_wait3A_90] : memref<10000x128xf32, #tpu.memory_space<hbm>> -> memref<10000x128xf32, #tpu.memory_space<hbm>>
      tpu.wait_indirect_dma semaphore(%arg12 : memref<!tpu.dma_semaphore, #tpu.memory_space<semaphore_mem>>) src(%dma_wait3A_91 : memref<10000x128xf32, #tpu.memory_space<hbm>>) dst(%arg10 : memref<256x128xf32, #tpu.memory_space<vmem>>)
      %add3A_92 = arith.constant 256 : i32
      %add3A_93 = arith.addi %mul3A_4, %add3A_92 : i32
      %dma_start3A_94 = arith.constant 0 : i32
      %dma_start3A_95 = tpu.memref_slice %arg5[%scan3A_73, %add3A_93, %dma_start3A_94] : memref<10x16384x128xf32, #tpu.memory_space<hbm>> -> memref<1x256x128xf32, #tpu.memory_space<hbm>>
      %dma_start3A_96 = tpu.memref_squeeze %dma_start3A_95 : memref<1x256x128xf32, #tpu.memory_space<hbm>> -> memref<256x128xf32, #tpu.memory_space<hbm>>
      %dma_start3A_97 = arith.constant 0 : i32
      %dma_start3A_98 = tpu.memref_slice %arg5[%scan3A_73, %add3A_93, %dma_start3A_97] : memref<10x16384x128xf32, #tpu.memory_space<hbm>> -> memref<1x256x128xf32, #tpu.memory_space<hbm>>
      %dma_start3A_99 = tpu.memref_squeeze %dma_start3A_98 : memref<1x256x128xf32, #tpu.memory_space<hbm>> -> memref<256x128xf32, #tpu.memory_space<hbm>>
      tpu.enqueue_dma source(%arg10 : memref<256x128xf32, #tpu.memory_space<vmem>>) target(%dma_start3A_99 : memref<256x128xf32, #tpu.memory_space<hbm>>) target_semaphore(%arg14 : memref<!tpu.dma_semaphore, #tpu.memory_space<semaphore_mem>>)
      %dma_wait3A_100 = arith.constant 0 : i32
      %dma_wait3A_101 = arith.constant 0 : i32
      %dma_wait3A_102 = arith.constant 0 : i32
      %dma_wait3A_103 = tpu.memref_slice %arg5[%dma_wait3A_100, %dma_wait3A_101, %dma_wait3A_102] : memref<10x16384x128xf32, #tpu.memory_space<hbm>> -> memref<1x256x128xf32, #tpu.memory_space<hbm>>
      %dma_wait3A_104 = tpu.memref_squeeze %dma_wait3A_103 : memref<1x256x128xf32, #tpu.memory_space<hbm>> -> memref<256x128xf32, #tpu.memory_space<hbm>>
      %dma_wait3A_105 = arith.constant 0 : i32
      %dma_wait3A_106 = arith.constant 0 : i32
      %dma_wait3A_107 = tpu.memref_slice %arg5[%dma_wait3A_100, %dma_wait3A_105, %dma_wait3A_106] : memref<10x16384x128xf32, #tpu.memory_space<hbm>> -> memref<1x256x128xf32, #tpu.memory_space<hbm>>
      %dma_wait3A_108 = tpu.memref_squeeze %dma_wait3A_107 : memref<1x256x128xf32, #tpu.memory_space<hbm>> -> memref<256x128xf32, #tpu.memory_space<hbm>>
      tpu.wait_dma2 semaphore(%arg13 : memref<!tpu.dma_semaphore, #tpu.memory_space<semaphore_mem>>) src(%arg9 : memref<256x128xf32, #tpu.memory_space<vmem>>) dst(%dma_wait3A_108 : memref<256x128xf32, #tpu.memory_space<hbm>>)
      %add3A_109 = arith.constant 1 : i32
      %add3A_110 = arith.addi %scan3A_73, %add3A_109 : i32
      %mul3A_111 = arith.constant 512 : i32
      %mul3A_112 = arith.muli %add3A_110, %mul3A_111 : i32
      %add3A_113 = arith.constant 0 : i32
      %add3A_114 = arith.addi %mul3A_112, %add3A_113 : i32
      %dma_start3A_115 = tpu.memref_slice %arg8[%add3A_114] : memref<5120xi32, #tpu.memory_space<vmem>> -> memref<256xi32, #tpu.memory_space<vmem>>
      %dma_start3A_116 = arith.constant 0 : i32
      %dma_start3A_117 = arith.constant 0 : i32
      %dma_start3A_118 = tpu.memref_slice %arg4[%dma_start3A_116, %dma_start3A_117] : memref<10000x128xf32, #tpu.memory_space<hbm>> -> memref<10000x128xf32, #tpu.memory_space<hbm>>
      tpu.enqueue_indirect_dma source(%dma_start3A_118 : memref<10000x128xf32, #tpu.memory_space<hbm>>) target(%arg9 : memref<256x128xf32, #tpu.memory_space<vmem>>) offsets(%dma_start3A_115 : memref<256xi32, #tpu.memory_space<vmem>>) semaphore(%arg11 : memref<!tpu.dma_semaphore, #tpu.memory_space<semaphore_mem>>)
      %dma_wait3A_119 = arith.constant 0 : i32
      %dma_wait3A_120 = arith.constant 0 : i32
      %dma_wait3A_121 = arith.constant 0 : i32
      %dma_wait3A_122 = tpu.memref_slice %arg5[%dma_wait3A_119, %dma_wait3A_120, %dma_wait3A_121] : memref<10x16384x128xf32, #tpu.memory_space<hbm>> -> memref<1x256x128xf32, #tpu.memory_space<hbm>>
      %dma_wait3A_123 = tpu.memref_squeeze %dma_wait3A_122 : memref<1x256x128xf32, #tpu.memory_space<hbm>> -> memref<256x128xf32, #tpu.memory_space<hbm>>
      %dma_wait3A_124 = arith.constant 0 : i32
      %dma_wait3A_125 = arith.constant 0 : i32
      %dma_wait3A_126 = tpu.memref_slice %arg5[%dma_wait3A_119, %dma_wait3A_124, %dma_wait3A_125] : memref<10x16384x128xf32, #tpu.memory_space<hbm>> -> memref<1x256x128xf32, #tpu.memory_space<hbm>>
      %dma_wait3A_127 = tpu.memref_squeeze %dma_wait3A_126 : memref<1x256x128xf32, #tpu.memory_space<hbm>> -> memref<256x128xf32, #tpu.memory_space<hbm>>
      tpu.wait_dma2 semaphore(%arg14 : memref<!tpu.dma_semaphore, #tpu.memory_space<semaphore_mem>>) src(%arg10 : memref<256x128xf32, #tpu.memory_space<vmem>>) dst(%dma_wait3A_127 : memref<256x128xf32, #tpu.memory_space<hbm>>)
      %add3A_128 = arith.constant 1 : i32
      %add3A_129 = arith.addi %scan3A_73, %add3A_128 : i32
      %mul3A_130 = arith.constant 512 : i32
      %mul3A_131 = arith.muli %add3A_129, %mul3A_130 : i32
      %add3A_132 = arith.constant 256 : i32
      %add3A_133 = arith.addi %mul3A_131, %add3A_132 : i32
      %dma_start3A_134 = tpu.memref_slice %arg8[%add3A_133] : memref<5120xi32, #tpu.memory_space<vmem>> -> memref<256xi32, #tpu.memory_space<vmem>>
      %dma_start3A_135 = arith.constant 0 : i32
      %dma_start3A_136 = arith.constant 0 : i32
      %dma_start3A_137 = tpu.memref_slice %arg4[%dma_start3A_135, %dma_start3A_136] : memref<10000x128xf32, #tpu.memory_space<hbm>> -> memref<10000x128xf32, #tpu.memory_space<hbm>>
      tpu.enqueue_indirect_dma source(%dma_start3A_137 : memref<10000x128xf32, #tpu.memory_space<hbm>>) target(%arg10 : memref<256x128xf32, #tpu.memory_space<vmem>>) offsets(%dma_start3A_134 : memref<256xi32, #tpu.memory_space<vmem>>) semaphore(%arg12 : memref<!tpu.dma_semaphore, #tpu.memory_space<semaphore_mem>>)
    }
    %scan3A_27 = arith.constant 9 : i32
    %dma_wait3A = arith.constant 0 : i32
    %dma_wait3A_28 = tpu.memref_slice %arg8[%dma_wait3A] : memref<5120xi32, #tpu.memory_space<vmem>> -> memref<256xi32, #tpu.memory_space<vmem>>
    %dma_wait3A_29 = arith.constant 0 : i32
    %dma_wait3A_30 = arith.constant 0 : i32
    %dma_wait3A_31 = tpu.memref_slice %arg4[%dma_wait3A_29, %dma_wait3A_30] : memref<10000x128xf32, #tpu.memory_space<hbm>> -> memref<10000x128xf32, #tpu.memory_space<hbm>>
    tpu.wait_indirect_dma semaphore(%arg11 : memref<!tpu.dma_semaphore, #tpu.memory_space<semaphore_mem>>) src(%dma_wait3A_31 : memref<10000x128xf32, #tpu.memory_space<hbm>>) dst(%arg9 : memref<256x128xf32, #tpu.memory_space<vmem>>)
    %add3A_32 = arith.constant 0 : i32
    %add3A_33 = arith.addi %mul3A_4, %add3A_32 : i32
    %dma_start3A_34 = arith.constant 9 : i32
    %dma_start3A_35 = arith.constant 0 : i32
    %dma_start3A_36 = tpu.memref_slice %arg5[%dma_start3A_34, %add3A_33, %dma_start3A_35] : memref<10x16384x128xf32, #tpu.memory_space<hbm>> -> memref<1x256x128xf32, #tpu.memory_space<hbm>>
    %dma_start3A_37 = tpu.memref_squeeze %dma_start3A_36 : memref<1x256x128xf32, #tpu.memory_space<hbm>> -> memref<256x128xf32, #tpu.memory_space<hbm>>
    %dma_start3A_38 = arith.constant 0 : i32
    %dma_start3A_39 = tpu.memref_slice %arg5[%dma_start3A_34, %add3A_33, %dma_start3A_38] : memref<10x16384x128xf32, #tpu.memory_space<hbm>> -> memref<1x256x128xf32, #tpu.memory_space<hbm>>
    %dma_start3A_40 = tpu.memref_squeeze %dma_start3A_39 : memref<1x256x128xf32, #tpu.memory_space<hbm>> -> memref<256x128xf32, #tpu.memory_space<hbm>>
    tpu.enqueue_dma source(%arg9 : memref<256x128xf32, #tpu.memory_space<vmem>>) target(%dma_start3A_40 : memref<256x128xf32, #tpu.memory_space<hbm>>) target_semaphore(%arg13 : memref<!tpu.dma_semaphore, #tpu.memory_space<semaphore_mem>>)
    %dma_wait3A_41 = arith.constant 0 : i32
    %dma_wait3A_42 = tpu.memref_slice %arg8[%dma_wait3A_41] : memref<5120xi32, #tpu.memory_space<vmem>> -> memref<256xi32, #tpu.memory_space<vmem>>
    %dma_wait3A_43 = arith.constant 0 : i32
    %dma_wait3A_44 = arith.constant 0 : i32
    %dma_wait3A_45 = tpu.memref_slice %arg4[%dma_wait3A_43, %dma_wait3A_44] : memref<10000x128xf32, #tpu.memory_space<hbm>> -> memref<10000x128xf32, #tpu.memory_space<hbm>>
    tpu.wait_indirect_dma semaphore(%arg12 : memref<!tpu.dma_semaphore, #tpu.memory_space<semaphore_mem>>) src(%dma_wait3A_45 : memref<10000x128xf32, #tpu.memory_space<hbm>>) dst(%arg10 : memref<256x128xf32, #tpu.memory_space<vmem>>)
    %add3A_46 = arith.constant 256 : i32
    %add3A_47 = arith.addi %mul3A_4, %add3A_46 : i32
    %dma_start3A_48 = arith.constant 9 : i32
    %dma_start3A_49 = arith.constant 0 : i32
    %dma_start3A_50 = tpu.memref_slice %arg5[%dma_start3A_48, %add3A_47, %dma_start3A_49] : memref<10x16384x128xf32, #tpu.memory_space<hbm>> -> memref<1x256x128xf32, #tpu.memory_space<hbm>>
    %dma_start3A_51 = tpu.memref_squeeze %dma_start3A_50 : memref<1x256x128xf32, #tpu.memory_space<hbm>> -> memref<256x128xf32, #tpu.memory_space<hbm>>
    %dma_start3A_52 = arith.constant 0 : i32
    %dma_start3A_53 = tpu.memref_slice %arg5[%dma_start3A_48, %add3A_47, %dma_start3A_52] : memref<10x16384x128xf32, #tpu.memory_space<hbm>> -> memref<1x256x128xf32, #tpu.memory_space<hbm>>
    %dma_start3A_54 = tpu.memref_squeeze %dma_start3A_53 : memref<1x256x128xf32, #tpu.memory_space<hbm>> -> memref<256x128xf32, #tpu.memory_space<hbm>>
    tpu.enqueue_dma source(%arg10 : memref<256x128xf32, #tpu.memory_space<vmem>>) target(%dma_start3A_54 : memref<256x128xf32, #tpu.memory_space<hbm>>) target_semaphore(%arg14 : memref<!tpu.dma_semaphore, #tpu.memory_space<semaphore_mem>>)
    %dma_wait3A_55 = arith.constant 0 : i32
    %dma_wait3A_56 = arith.constant 0 : i32
    %dma_wait3A_57 = arith.constant 0 : i32
    %dma_wait3A_58 = tpu.memref_slice %arg5[%dma_wait3A_55, %dma_wait3A_56, %dma_wait3A_57] : memref<10x16384x128xf32, #tpu.memory_space<hbm>> -> memref<1x256x128xf32, #tpu.memory_space<hbm>>
    %dma_wait3A_59 = tpu.memref_squeeze %dma_wait3A_58 : memref<1x256x128xf32, #tpu.memory_space<hbm>> -> memref<256x128xf32, #tpu.memory_space<hbm>>
    %dma_wait3A_60 = arith.constant 0 : i32
    %dma_wait3A_61 = arith.constant 0 : i32
    %dma_wait3A_62 = tpu.memref_slice %arg5[%dma_wait3A_55, %dma_wait3A_60, %dma_wait3A_61] : memref<10x16384x128xf32, #tpu.memory_space<hbm>> -> memref<1x256x128xf32, #tpu.memory_space<hbm>>
    %dma_wait3A_63 = tpu.memref_squeeze %dma_wait3A_62 : memref<1x256x128xf32, #tpu.memory_space<hbm>> -> memref<256x128xf32, #tpu.memory_space<hbm>>
    tpu.wait_dma2 semaphore(%arg13 : memref<!tpu.dma_semaphore, #tpu.memory_space<semaphore_mem>>) src(%arg9 : memref<256x128xf32, #tpu.memory_space<vmem>>) dst(%dma_wait3A_63 : memref<256x128xf32, #tpu.memory_space<hbm>>)
    %dma_wait3A_64 = arith.constant 0 : i32
    %dma_wait3A_65 = arith.constant 0 : i32
    %dma_wait3A_66 = arith.constant 0 : i32
    %dma_wait3A_67 = tpu.memref_slice %arg5[%dma_wait3A_64, %dma_wait3A_65, %dma_wait3A_66] : memref<10x16384x128xf32, #tpu.memory_space<hbm>> -> memref<1x256x128xf32, #tpu.memory_space<hbm>>
    %dma_wait3A_68 = tpu.memref_squeeze %dma_wait3A_67 : memref<1x256x128xf32, #tpu.memory_space<hbm>> -> memref<256x128xf32, #tpu.memory_space<hbm>>
    %dma_wait3A_69 = arith.constant 0 : i32
    %dma_wait3A_70 = arith.constant 0 : i32
    %dma_wait3A_71 = tpu.memref_slice %arg5[%dma_wait3A_64, %dma_wait3A_69, %dma_wait3A_70] : memref<10x16384x128xf32, #tpu.memory_space<hbm>> -> memref<1x256x128xf32, #tpu.memory_space<hbm>>
    %dma_wait3A_72 = tpu.memref_squeeze %dma_wait3A_71 : memref<1x256x128xf32, #tpu.memory_space<hbm>> -> memref<256x128xf32, #tpu.memory_space<hbm>>
    tpu.wait_dma2 semaphore(%arg14 : memref<!tpu.dma_semaphore, #tpu.memory_space<semaphore_mem>>) src(%arg10 : memref<256x128xf32, #tpu.memory_space<vmem>>) dst(%dma_wait3A_72 : memref<256x128xf32, #tpu.memory_space<hbm>>)
    return
  }
}

</mosaic_0001>

<sc_bundles>
// kernel: _emb.3.cloned.1.call-start
scs
__scs_entry_jumppad:
0x0: {  	(pc) =	sbr.rel $0x88, $3  }
0x1: {  	(tag) =	ssettag $0x0;
	lr =	simm.s32 $0x1  }
0x2: {  	[smem:$0x3F9E] =	sst lr;
	_ =	strace $0xD0000000  }
0x3: {  	_ = 	snop  }
0x4: {  	_ = 	snop  }
0x5: {  	_ = 	snop  }
0x6: {  	_ = 	snop  }
0x7: {  	_ = 	snop  }
__scs_overlays_trampoline_lowered:
0x8: {  	[smem:$0x3FAD] =	sst s0  }
0x9: {  	[smem:$0x3FAE] =	sst s1  }
0xa: {  	[smem:$0x3FAF] =	sst s2  }
0xb: {  	[smem:$0x3FB0] =	sst s3  }
0xc: {  	[smem:$0x3FB1] =	sst s4  }
0xd: {  	[smem:$0x3FB2] =	sst s5  }
0xe: {  	[smem:$0x3FB3] =	sst s6  }
0xf: {  	[smem:$0x3FB4] =	sst s7  }
0x10: {  	[smem:$0x3FB5] =	sst s8  }
0x11: {  	[smem:$0x3FB6] =	sst s9;
	s0 =	simm.s32 @!p0 $0x0  }
0x12: {  	s1 =	sld [smem:$0x3F9C];
	s0 =	simm.s32 @p0 $0x1  }
0x13: {  	[smem:$0x3FB7] =	sst s0;
	s0 =	simm.s32 @!p1 $0x0  }
0x14: {  	s2 =	sld [smem:$0x3F9B];
	s0 =	simm.s32 @p1 $0x1  }
0x15: {  	[smem:$0x3FB8] =	sst s0;
	s0 =	simm.s32 @!p2 $0x0  }
0x16: {  	s3 =	sld [smem:$0x3FDB];
	s0 =	simm.s32 @p2 $0x1  }
0x17: {  	s4 =	simm.s32 $0x1BF5;
	[smem:$0x3FBA] =	sst s0  }
0x18: {  	s0 =	sld [smem:$0x3F9D];
	_ =	swait.ge [sflag:s4], $0x0  }
0x19: {  	s7 =	sld [smem:$0x3F9E]  }
0x1a: {  	s8 =	sadd.s32 $0xFFFFE003, lr  }
0x1b: {  	s9 =	sadd.s32 $0xFFFFFEF7, lr;
	s5 =	simm.s32 $0xFFFFFFFF;
	p2 =	slt.u32 s8, $0xFFFFF086  }
0x1c: {  	p1 =	slt.u32 s9, $0xF7A;
	s5 =	simm.s32 @!p2 $0x0  }
0x1d: {  	s5 =	simm.s32 @p1 $0x1;
	p0 =	seq.s32 s7, s2  }
0x1e: {  	s7 =	smul.u32 @!p0 $0xF7A, s2;
	p2 =	seq.s32 @!p0 s5, $0x0  }
0x1f: {  	s9 =	smul.u32 $0xF7A, s1;
	s8 =	simm.s32 @!p0 $0x1BF5;
	p2 =	por !p2, p0  }
0x20: {  	[sflag:s8] =	ssyncset.s32 @!p0 $0xFFFFF086;
	s6 =	sadd.s32 @!p0 s3, s7;
	s7 =	simm.s32 @!p0 $0x108  }
0x21: {  	s3 =	sadd.s32 s3, s9;
	s6 =	sadd.s32 @!p0 $0x88, s6;
	s7 =	simm.s32 @p2 $0x1082  }
0x22: {  	[simem:s7], [sflag:s8] =	dma.local @!p0 [hbm:s6], $0xF7A  }
0x23: {  	s9 =	sor.u32 $0xD0000000, s2;
	s6 =	simm.s32 $0x108;
	_ =	swait.ge @!p0 [sflag:s8], $0x0  }
0x24: {  	s3 =	sadd.s32 $0x88, s3;
	s6 =	simm.s32 @!p1 $0x1082;
	[sflag:s4] =	ssyncset.s32 $0xFFFFF086  }
0x25: {  	[simem:s6], [sflag:s4] =	dma.local [hbm:s3], $0xF7A  }
0x26: {  	[smem:$0x3F9E] =	sst s1;
	(tag) =	ssettag s2;
	_ =	strace s9  }
0x27: {  	s1 =	sld [smem:$0x3FAE]  }
0x28: {  	s2 =	sld [smem:$0x3FAF]  }
0x29: {  	s4 =	sld [smem:$0x3FB1]  }
0x2a: {  	p0 =	seq.s32 s5, $0x0;
	s5 =	sld [smem:$0x3FB2]  }
0x2b: {  	s6 =	sld [smem:$0x3FB3]  }
0x2c: {  	s7 =	sld [smem:$0x3FB4]  }
0x2d: {  	s3 =	simm.s32 $0x108;
	s8 =	sld [smem:$0x3FB5]  }
0x2e: {  	s3 =	simm.s32 @!p0 $0x1082;
	s9 =	sld [smem:$0x3FB6]  }
0x2f: {  	lr =	sadd.s32 s0, s3;
	s0 =	sld [smem:$0x3FAD]  }
0x30: {  	s3 =	sld [smem:$0x3FB0]  }
0x31: {  	[smem:$0x3FB9] =	sst s10  }
0x32: {  	s10 =	sld [smem:$0x3FB7];
	_ =	sdelay $0x3  }
0x33: {  	p0 =	seq.s32 s10, $0x1;
	s10 =	sld [smem:$0x3FB9];
	_ =	sdelay $0x3  }
0x34: {  	[smem:$0x3FB9] =	sst s10  }
0x35: {  	s10 =	sld [smem:$0x3FB8];
	_ =	sdelay $0x3  }
0x36: {  	p1 =	seq.s32 s10, $0x1;
	s10 =	sld [smem:$0x3FB9];
	_ =	sdelay $0x3  }
0x37: {  	[smem:$0x3FB9] =	sst s10  }
0x38: {  	s10 =	sld [smem:$0x3FBA]  }
0x39: {  	_ = 	snop;
	(pc) =	sbr.ind lr, $3  }
0x3a: {  	_ = 	snop  }
0x3b: {  	_ = 	snop  }
0x3c: {  	p2 =	seq.s32 s10, $0x1;
	s10 =	sld [smem:$0x3FB9]  }
0x3d: {  	_ =	shalt  }
0x3e: {  	_ =	shalt  }
0x3f: {  	_ =	shalt  }
0x40: {  	_ =	shalt  }
0x41: {  	_ =	shalt  }
0x42: {  	_ =	shalt  }
0x43: {  	_ =	shalt  }
0x44: {  	_ =	shalt  }
0x45: {  	_ =	shalt  }
0x46: {  	_ =	shalt  }
0x47: {  	_ =	shalt  }
0x48: {  	_ =	shalt  }
0x49: {  	_ =	shalt  }
0x4a: {  	_ =	shalt  }
0x4b: {  	_ =	shalt  }
0x4c: {  	_ =	shalt  }
0x4d: {  	_ =	shalt  }
0x4e: {  	_ =	shalt  }
0x4f: {  	_ =	shalt  }
0x50: {  	_ =	shalt  }
0x51: {  	_ =	shalt  }
0x52: {  	_ =	shalt  }
0x53: {  	_ =	shalt  }
0x54: {  	_ =	shalt  }
0x55: {  	_ =	shalt  }
0x56: {  	_ =	shalt  }
0x57: {  	_ =	shalt  }
0x58: {  	_ =	shalt  }
0x59: {  	_ =	shalt  }
0x5a: {  	_ =	shalt  }
0x5b: {  	_ =	shalt  }
0x5c: {  	_ =	shalt  }
0x5d: {  	_ =	shalt  }
0x5e: {  	_ =	shalt  }
0x5f: {  	_ =	shalt  }
0x60: {  	_ =	shalt  }
0x61: {  	_ =	shalt  }
0x62: {  	_ =	shalt  }
0x63: {  	_ =	shalt  }
0x64: {  	_ =	shalt  }
0x65: {  	_ =	shalt  }
0x66: {  	_ =	shalt  }
0x67: {  	_ =	shalt  }
0x68: {  	_ =	shalt  }
0x69: {  	_ =	shalt  }
0x6a: {  	_ =	shalt  }
0x6b: {  	_ =	shalt  }
0x6c: {  	_ =	shalt  }
0x6d: {  	_ =	shalt  }
0x6e: {  	_ =	shalt  }
0x6f: {  	_ =	shalt  }
0x70: {  	_ =	shalt  }
0x71: {  	_ =	shalt  }
0x72: {  	_ =	shalt  }
0x73: {  	_ =	shalt  }
0x74: {  	_ =	shalt  }
0x75: {  	_ =	shalt  }
0x76: {  	_ =	shalt  }
0x77: {  	_ =	shalt  }
0x78: {  	_ =	shalt  }
0x79: {  	_ =	shalt  }
0x7a: {  	_ =	shalt  }
0x7b: {  	_ =	shalt  }
0x7c: {  	_ =	shalt  }
0x7d: {  	_ =	shalt  }
0x7e: {  	_ =	shalt  }
0x7f: {  	_ =	shalt  }
0x80: {  	_ =	shalt  }
0x81: {  	_ =	shalt  }
0x82: {  	_ =	shalt  }
0x83: {  	_ =	shalt  }
0x84: {  	_ =	shalt  }
0x85: {  	_ =	shalt  }
0x86: {  	_ =	shalt  }
0x87: {  	_ =	shalt  }
.Lfunc_end0:
.L_simem_size_0:
called_computation_lowered:
.L_overlay_start_0:
0x88: {  	s2 =	sld [smem:$0x3FD9]  }
0x89: {  	s3 =	sld [smem:$0x3FFE];
	_ =	sdelay $0x1  }
0x8a: {  	s1 =	srdreg.scid  }
0x8b: {  	s0 =	sand.u32 $0x1, s1  }
0x8c: {  	s18 =	sshll.u32 s0, $0xA;
	s2 =	sadd.s32 s3, s2  }
0x8d: {  	s2 =	sadd.s32 s2, s18  }
0x8e: {  	[smem:$0x3FC5] =	sst s2  }
0x8f: {  	_ = 	snop  }
0x90: {  	s2 =	sld [smem:$0x3FC9]  }
0x91: {  	s19 =	sld [smem:$0x3FC8]  }
0x92: {  	s4 =	sld [smem:$0x3FC7]  }
0x93: {  	s5 =	sld [smem:$0x3FD0];
	(tm) =	ssettm $0x1  }
0x94: {  	s6 =	sld [smem:$0x3FFB];
	_ =	sdelay $0x3  }
0x95: {  	_ =	strace s6  }
0x96: {  	s6 =	sld [smem:$0x3FFC];
	_ =	sdelay $0x3  }
0x97: {  	_ =	strace s6  }
0x98: {  	s6 =	sld [smem:$0x3FFD];
	_ =	sdelay $0x3  }
0x99: {  	_ =	strace s6  }
0x9a: {  	_ =	strace $0x8FFFFFFF  }
0x9b: {  	s20 =	sld [smem:$0x3FDB];
	_ =	sdelay $0x1  }
0x9c: {  	s7 =	simm.s32 $_scs_section_size  }
0x9d: {  	s8 =	simm.s32 $_size__tile_overlayer_lowered;
	s9 =	simm.s32 $_tile_overlayer_lowered  }
0x9e: {  	s23 =	simm.s32 $0x1BFF;
	s22 =	sshll.u32 s9, $0x1;
	s6 =	sadd.s32 s7, s20  }
0x9f: {  	s10 =	simm.s32 $0x0;
	s21 =	sshll.u32 s8, $0x1;
	s8 =	sadd.s32 s22, s6  }
0xa0: {  	[timem:s10], [sflag:s23] =	dma.local [hbm:s8], s21  }
0xa1: {  	_ =	swait.ge [sflag:s23], s21  }
0xa2: {  	s7 =	ssub.s32 $0x0, s21;
	[sflag:s23] =	ssyncset.done $0x0  }
0xa3: {  	[sflag:s23] =	ssyncadd.s32 s7;
	_ =	sdelay $0x1  }
0xa4: {  	s24 =	simm.s32 $0x1B8B  }
0xa5: {  	_ =	swait.ge [sflag:s24], $0x1  }
0xa6: {  	[sflag:s24] =	ssyncset.done $0x0  }
0xa7: {  	s25 =	simm.s32 $0x1B8E;
	[sflag:s24] =	ssyncadd.s32 $0xFFFFFFFF  }
0xa8: {  	s26 =	simm.s32 $execute0_lowered;
	[smem:$0x3FD2] =	sst s25  }
0xa9: {  	s7 =	sshll.u32 s26, $0x1;
	_ =	strace $0x80000046;
	[dreg:$0x1] =	wrdreg $0xFFFFFFFF  }
0xaa: {  	s28 =	simm.s32 $_size_execute0_lowered;
	s6 =	sadd.s32 s6, s7;
	[dreg:$0x0] =	wrdreg $0x0  }
0xab: {  	s7 =	sshll.u32 s28, $0x1;
	[dreg:$0x2] =	wrdreg s6  }
0xac: {  	[dreg:$0x3] =	wrdreg s7  }
0xad: {  	[dreg:$0x4] =	wrdreg $0xC0  }
0xae: {  	_ =	task [dreg:s10], $0x5FFFF  }
0xaf: {  	[dreg:$0x1] =	wrdreg $0xFFFFFFFF  }
0xb0: {  	[dreg:$0x0] =	wrdreg $0x60  }
0xb1: {  	[dreg:$0x2] =	wrdreg s2  }
0xb2: {  	[dreg:$0x3] =	wrdreg s19  }
0xb3: {  	[dreg:$0x4] =	wrdreg s4  }
0xb4: {  	[dreg:$0x5] =	wrdreg s5  }
0xb5: {  	[dreg:$0x6] =	wrdreg $0x9  }
0xb6: {  	_ =	task.clear_ibuf [dreg:s10], $0x7FFFF;
	_ =	strace $0x90000046  }
0xb7: {  	s29 =	simm.s32 $0x9;
	_ =	strace $0x80000048  }
0xb8: {  	_ =	swait.ge [sflag:s29], $0x1  }
0xb9: {  	[sflag:s29] =	ssyncadd.s32 $0xFFFFFFFF  }
0xba: {  	_ =	strace $0x90000048  }
0xbb: {  	_ =	sfence  }
0xbc: {  	s30 =	sld [smem:$0x0];
	_ =	sdelay $0x2  }
0xbd: {  	s31 =	sshll.u32 s1, $0xD;
	s1 =	sshrl.u32 s1, $0x2  }
0xbe: {  	s3 =	sand.u32 $0x4000, s31;
	s1 =	sadd.s32 s1, s30  }
0xbf: {  	s0 =	sor.u32 s3, s0;
	s1 =	sshll.u32 s1, $0x11  }
0xc0: {  	s0 =	sor.u32 s1, s0  }
0xc1: {  	s0 =	sadd.s32 $0x8F2B, s0  }
0xc2: {  	[sflag:s0] =	ssyncadd.remote.s32 $0x1  }
0xc3: {  	_ =	sfence.sel $0xFFFF  }
0xc4: {  	[dreg:$0x0] =	wrdreg $0xFFFFFFFF;
	(pc) =	sbr.abs _section_cstart, $3  }
0xc5: {  	[dreg:$0x1] =	wrdreg $0xFFFFFFFF  }
0xc6: {  	_ =	task.clear_ibuf [dreg:s10], $0x2FFFF;
	_ =	strace $0x9FFFFFFF  }
0xc7: {  	(tm) =	ssettm $0x7FFFFFFF  }
tec
execute0_lowered:
.L_overlay_start_1:
0x0: {  	(tag) =	ssettag $0x1  }
0x1: {  	s0 =	rddreg [dreg:$0x0]  }
0x2: {  	s1 =	rddreg [dreg:$0x1]  }
0x3: {  	s2 =	rddreg [dreg:$0x2]  }
0x4: {  	s10 =	rddreg [dreg:$0x3];
	s3 =	srdreg.scid  }
0x5: {  	s9 =	stileid.u32;
	s11 =	simm.s32 $0x5;
	s12 =	simm.s32 $0x1400  }
0x6: {  	s13 =	simm.s32 $0x100;
	s15 =	simm.s32 $0x3C00;
	s17 =	simm.s32 $0xBC00  }
0x7: {  	s18 =	simm.s32 $0x1;
	s19 =	simm.s32 $0x2;
	s20 =	simm.s32 $0x3  }
0x8: {  	s21 =	simm.s32 $0x4;
	s22 =	simm.s32 $0x0;
	s4 =	sand.u32 $0x1, s3  }
0x9: {  	s3 =	simm.s32 $0x0;
	s6 =	sshll.u32 s9, $0x1;
	s24 =	sshll.u32 s9, $0x11  }
0xa: {  	s5 =	ssub.s32 $0x2, s4;
	[smem:$0x7FF] =	sst s3;
	s6 =	sor.u32 s4, s6  }
0xb: {  	s25 =	sshll.u32 s4, $0x10;
	s7 =	sshrl.u32 s5, $0x1;
	_ =	strace $0x80000047  }
0xc: {  	s23 =	smul.u32 $0x280, s6;
	s6 =	sshll.u32 s6, $0xD;
	s9 =	sor.u32 s25, s24  }
0xd: {  	s8 =	ssub.s32 s5, s7;
	s26 =	sadd.s32 s6, s10;
	s29 =	sor.u32 $0x8000, s9  }
0xe: {  	s31 =	sshrl.u32 s9, $0x3;
	s0 =	sadd.s32 s0, s23;
	s1 =	sadd.s32 s1, s23  }
0xf: {  	s28 =	sadd.s32 $0x240000, s26;
	s7 =	sadd.s32 $0x241000, s26;
	[dreg:$0x5] =	wrdreg s0  }
0x10: {  	v0 =	vlaneseq.u32;
	s30 =	sshrl.u32 s29, $0x3;
	s8 =	smax.u32 s8, $0x1;
	[dreg:$0x6] =	wrdreg s1  }
0x11: {  	v0 =	vmul.u32 $0xA, v0;
	[dreg:$0x7] =	wrdreg s28;
	s9 =	sadd.s32 s30, s10;
	s10 =	sadd.s32 s31, s10  }
.LBB2_1:
0x12: {  	s0 =	rddreg [dreg:$0x5];
	s26 =	sand.u32 $0x1C, s3  }
0x13: {  	[tilespmem:s3], [sflag:$0x5] =	stream.linear.gather [hbm4b:s0+s3], $0x1400, $0x38;
	[tilespmem:$0x13C00] =	vst v63  }
0x14: {  	s1 =	smul.u32 $0xA0, s26  }
0x15: {  	_ =	swait.ge [sflag:s11], $0x1400  }
0x16: {  	[sflag:s11] =	ssyncset.done $0x0;
	s1 =	sadd.s32 $0x0, s1  }
0x17: {  	s4 =	rddreg [dreg:$0x6];
	[sflag:s11] =	ssyncadd.s32 $0xFFFFEC00;
	v1 =	vadd.s32 s1, v0  }
0x18: {  	[tilespmem:s12], [sflag:$0x5] =	stream.linear.gather [hbm4b:s4+s3], $0x1400, $0x38;
	[tilespmem:$0x13C00] =	vst v63  }
0x19: {  	_ =	swait.ge [sflag:s11], $0x1400  }
0x1a: {  	[sflag:s11] =	ssyncset.done $0x0  }
0x1b: {  	[sflag:s11] =	ssyncadd.s32 $0xFFFFEC00  }
0x1c: {  	v2 =	vld.idx.msk [tilespmem:v1+s3+$0x0], $0xffff;
	_ =	sdelay $0x1  }
0x1d: {  	v1 =	vld.idx.msk [tilespmem:v1+s12+$0x0], $0xffff;
	_ =	sdelay $0x2  }
0x1e: {  	v2 =	vmax.f32 v2, $9.999999770e-03  }
0x1f: {  	v2 =	vmin.f32 v2, $1.000000000e+00  }
0x20: {  	v1 =	vmax.f32 v1, $9.999999770e-03;
	v2 =	vmul.f32 $1.000000000e+02, v2  }
0x21: {  	v1 =	vmin.f32 v1, $1.000000000e+00  }
0x22: {  	v1 =	vmul.f32 $1.000000000e+02, v1;
	v2 =	vadd.f32 $8.388608000e+06, v2;
	_ =	sdelay $0x1  }
0x23: {  	v1 =	vadd.f32 $8.388608000e+06, v1;
	v2 =	vadd.f32 $-8.388608000e+06, v2;
	_ =	sdelay $0x1  }
0x24: {  	v1 =	vadd.f32 $-8.388608000e+06, v1;
	v2 =	vmul.f32 $1.000000000e+02, v2  }
0x25: {  	s5 =	sor.u32 $0x1, s26  }
0x26: {  	s14 =	smul.u32 $0xA0, s5;
	v1 =	vadd.f32 v1, v2;
	_ =	sdelay $0x1  }
0x27: {  	s14 =	sadd.s32 $0x0, s14;
	v1 =	vadd.f32 $-1.010000000e+02, v1  }
0x28: {  	s23 =	simm.s32 $0x0;
	v2 =	vadd.s32 s14, v0  }
0x29: {  	s6 =	sand.u32 $0x3FFFFE00, s23;
	v1 =	vtrunc.f32 v1  }
0x2a: {  	s16 =	sshll.u32 s26, $0x4;
	s31 =	sadd.s32 $0x2800, s6;
	v1 =	vcvt.f32.s32 v1  }
0x2b: {  	s14 =	sor.u32 s16, s31  }
0x2c: {  	[tilespmem:s14+$0x0] =	vst v1  }
0x2d: {  	v1 =	vld.idx.msk [tilespmem:v2+s3+$0x0], $0xffff;
	_ =	sdelay $0x1  }
0x2e: {  	v2 =	vld.idx.msk [tilespmem:v2+s12+$0x0], $0xffff;
	_ =	sdelay $0x2  }
0x2f: {  	v1 =	vmax.f32 v1, $9.999999770e-03  }
0x30: {  	v1 =	vmin.f32 v1, $1.000000000e+00  }
0x31: {  	v2 =	vmax.f32 v2, $9.999999770e-03;
	v1 =	vmul.f32 $1.000000000e+02, v1  }
0x32: {  	v2 =	vmin.f32 v2, $1.000000000e+00  }
0x33: {  	v2 =	vmul.f32 $1.000000000e+02, v2;
	v1 =	vadd.f32 $8.388608000e+06, v1;
	_ =	sdelay $0x1  }
0x34: {  	v2 =	vadd.f32 $8.388608000e+06, v2;
	v1 =	vadd.f32 $-8.388608000e+06, v1;
	_ =	sdelay $0x1  }
0x35: {  	v2 =	vadd.f32 $-8.388608000e+06, v2;
	v1 =	vmul.f32 $1.000000000e+02, v1  }
0x36: {  	s24 =	sor.u32 $0x2, s26  }
0x37: {  	s25 =	smul.u32 $0xA0, s24;
	v1 =	vadd.f32 v2, v1;
	_ =	sdelay $0x1  }
0x38: {  	s23 =	sadd.s32 $0x0, s25;
	v1 =	vadd.f32 $-1.010000000e+02, v1  }
0x39: {  	v2 =	vadd.s32 s23, v0  }
0x3a: {  	v1 =	vtrunc.f32 v1  }
0x3b: {  	s1 =	sshll.u32 s5, $0x4;
	v1 =	vcvt.f32.s32 v1  }
0x3c: {  	s1 =	sor.u32 s1, s31  }
0x3d: {  	[tilespmem:s1+$0x0] =	vst v1  }
0x3e: {  	v1 =	vld.idx.msk [tilespmem:v2+s3+$0x0], $0xffff;
	_ =	sdelay $0x1  }
0x3f: {  	v2 =	vld.idx.msk [tilespmem:v2+s12+$0x0], $0xffff;
	_ =	sdelay $0x2  }
0x40: {  	v1 =	vmax.f32 v1, $9.999999770e-03  }
0x41: {  	v1 =	vmin.f32 v1, $1.000000000e+00  }
0x42: {  	v2 =	vmax.f32 v2, $9.999999770e-03;
	v1 =	vmul.f32 $1.000000000e+02, v1  }
0x43: {  	v2 =	vmin.f32 v2, $1.000000000e+00  }
0x44: {  	v2 =	vmul.f32 $1.000000000e+02, v2;
	v1 =	vadd.f32 $8.388608000e+06, v1;
	_ =	sdelay $0x1  }
0x45: {  	v2 =	vadd.f32 $8.388608000e+06, v2;
	v1 =	vadd.f32 $-8.388608000e+06, v1;
	_ =	sdelay $0x1  }
0x46: {  	v2 =	vadd.f32 $-8.388608000e+06, v2;
	v1 =	vmul.f32 $1.000000000e+02, v1  }
0x47: {  	s0 =	sor.u32 $0x3, s26  }
0x48: {  	s26 =	smul.u32 $0xA0, s0;
	v1 =	vadd.f32 v2, v1;
	_ =	sdelay $0x1  }
0x49: {  	s1 =	sadd.s32 $0x0, s26;
	v1 =	vadd.f32 $-1.010000000e+02, v1  }
0x4a: {  	v2 =	vadd.s32 s1, v0  }
0x4b: {  	v1 =	vtrunc.f32 v1  }
0x4c: {  	s4 =	sshll.u32 s24, $0x4;
	v1 =	vcvt.f32.s32 v1  }
0x4d: {  	s1 =	sor.u32 s4, s31  }
0x4e: {  	[tilespmem:s1+$0x0] =	vst v1  }
0x4f: {  	v1 =	vld.idx.msk [tilespmem:v2+s3+$0x0], $0xffff;
	_ =	sdelay $0x1  }
0x50: {  	v2 =	vld.idx.msk [tilespmem:v2+s12+$0x0], $0xffff;
	_ =	sdelay $0x2  }
0x51: {  	v1 =	vmax.f32 v1, $9.999999770e-03  }
0x52: {  	v1 =	vmin.f32 v1, $1.000000000e+00  }
0x53: {  	v2 =	vmax.f32 v2, $9.999999770e-03;
	v1 =	vmul.f32 $1.000000000e+02, v1  }
0x54: {  	v2 =	vmin.f32 v2, $1.000000000e+00  }
0x55: {  	v2 =	vmul.f32 $1.000000000e+02, v2;
	v1 =	vadd.f32 $8.388608000e+06, v1;
	_ =	sdelay $0x1  }
0x56: {  	v2 =	vadd.f32 $8.388608000e+06, v2;
	v1 =	vadd.f32 $-8.388608000e+06, v1;
	_ =	sdelay $0x1  }
0x57: {  	v2 =	vadd.f32 $-8.388608000e+06, v2;
	v1 =	vmul.f32 $1.000000000e+02, v1  }
0x58: {  	s25 =	simm.s32 $0x4  }
0x59: {  	s5 =	sand.u32 $0x1C, s25;
	v1 =	vadd.f32 v2, v1  }
0x5a: {  	s16 =	sshll.u32 s0, $0x4;
	s0 =	smul.u32 $0xA0, s5  }
0x5b: {  	s28 =	simm.s32 $0x2;
	s6 =	sor.u32 $0x1, s5;
	v1 =	vadd.f32 $-1.010000000e+02, v1  }
0x5c: {  	s0 =	sadd.s32 $0x0, s0;
	s26 =	smul.u32 $0xA0, s6;
	s4 =	sor.u32 $0x3, s5  }
0x5d: {  	s29 =	sor.u32 $0x2, s5;
	s30 =	sshll.u32 s6, $0x4;
	s6 =	smul.u32 $0xA0, s4;
	v2 =	vtrunc.f32 v1;
	v1 =	vadd.s32 s0, v0  }
0x5e: {  	s24 =	simm.s32 $0x1;
	s1 =	sshll.u32 s5, $0x4;
	s5 =	smul.u32 $0xA0, s29  }
0x5f: {  	s14 =	sadd.s32 $0x0, s26;
	s26 =	sshll.u32 s29, $0x4;
	s31 =	sor.u32 s16, s31;
	v2 =	vcvt.f32.s32 v2  }
0x60: {  	s23 =	sshll.u32 s4, $0x4;
	s29 =	sadd.s32 $0x0, s6;
	s0 =	sadd.s32 $0x0, s5  }
.LBB2_2:
0x61: {  	p0 =	sne.s32 s28, $0x4F;
	[tilespmem:s31+$0x0] =	vst v2;
	s4 =	smov.u32 s28;
	s28 =	sadd.s32 $0x1, s28  }
0x62: {  	v2 =	vld.idx.msk [tilespmem:v1+s3+$0x0], $0xffff;
	_ =	sdelay $0x1  }
0x63: {  	v1 =	vld.idx.msk [tilespmem:v1+s12+$0x0], $0xffff;
	_ =	sdelay $0x3  }
0x64: {  	v2 =	vmax.f32 v2, $9.999999770e-03  }
0x65: {  	v2 =	vmin.f32 v2, $1.000000000e+00  }
0x66: {  	v2 =	vmul.f32 $1.000000000e+02, v2;
	v1 =	vmax.f32 v1, $9.999999770e-03  }
0x67: {  	v1 =	vmin.f32 v1, $1.000000000e+00  }
0x68: {  	v2 =	vadd.f32 $8.388608000e+06, v2;
	v1 =	vmul.f32 $1.000000000e+02, v1;
	_ =	sdelay $0x1  }
0x69: {  	v2 =	vadd.f32 $-8.388608000e+06, v2;
	v1 =	vadd.f32 $8.388608000e+06, v1;
	_ =	sdelay $0x1  }
0x6a: {  	v2 =	vmul.f32 $1.000000000e+02, v2;
	v1 =	vadd.f32 $-8.388608000e+06, v1;
	_ =	sdelay $0x1  }
0x6b: {  	v1 =	vadd.f32 v1, v2;
	_ =	sdelay $0x1  }
0x6c: {  	v1 =	vadd.f32 $-1.010000000e+02, v1  }
0x6d: {  	s5 =	sshll.u32 s24, $0x6;
	s24 =	smov.u32 s4;
	v2 =	vadd.s32 s14, v0  }
0x6e: {  	s4 =	sand.u32 $0x3FFFFE00, s5;
	v1 =	vtrunc.f32 v1  }
0x6f: {  	s31 =	sadd.s32 $0x2800, s4;
	v1 =	vcvt.f32.s32 v1  }
0x70: {  	s1 =	sor.u32 s1, s31  }
0x71: {  	[tilespmem:s1+$0x0] =	vst v1  }
0x72: {  	v1 =	vld.idx.msk [tilespmem:v2+s3+$0x0], $0xffff;
	_ =	sdelay $0x1  }
0x73: {  	v2 =	vld.idx.msk [tilespmem:v2+s12+$0x0], $0xffff;
	_ =	sdelay $0x3  }
0x74: {  	v1 =	vmax.f32 v1, $9.999999770e-03  }
0x75: {  	v1 =	vmin.f32 v1, $1.000000000e+00  }
0x76: {  	v1 =	vmul.f32 $1.000000000e+02, v1;
	v2 =	vmax.f32 v2, $9.999999770e-03  }
0x77: {  	v2 =	vmin.f32 v2, $1.000000000e+00  }
0x78: {  	v1 =	vadd.f32 $8.388608000e+06, v1;
	v2 =	vmul.f32 $1.000000000e+02, v2;
	_ =	sdelay $0x1  }
0x79: {  	v1 =	vadd.f32 $-8.388608000e+06, v1;
	v2 =	vadd.f32 $8.388608000e+06, v2;
	_ =	sdelay $0x1  }
0x7a: {  	v1 =	vmul.f32 $1.000000000e+02, v1;
	v2 =	vadd.f32 $-8.388608000e+06, v2;
	_ =	sdelay $0x1  }
0x7b: {  	v1 =	vadd.f32 v2, v1;
	_ =	sdelay $0x1  }
0x7c: {  	v1 =	vadd.f32 $-1.010000000e+02, v1  }
0x7d: {  	v2 =	vadd.s32 s0, v0  }
0x7e: {  	v1 =	vtrunc.f32 v1  }
0x7f: {  	v1 =	vcvt.f32.s32 v1  }
0x80: {  	s0 =	sor.u32 s30, s31  }
0x81: {  	[tilespmem:s0+$0x0] =	vst v1  }
0x82: {  	v1 =	vld.idx.msk [tilespmem:v2+s3+$0x0], $0xffff;
	_ =	sdelay $0x1  }
0x83: {  	v2 =	vld.idx.msk [tilespmem:v2+s12+$0x0], $0xffff;
	_ =	sdelay $0x3  }
0x84: {  	v1 =	vmax.f32 v1, $9.999999770e-03  }
0x85: {  	v1 =	vmin.f32 v1, $1.000000000e+00  }
0x86: {  	v1 =	vmul.f32 $1.000000000e+02, v1;
	v2 =	vmax.f32 v2, $9.999999770e-03  }
0x87: {  	v2 =	vmin.f32 v2, $1.000000000e+00  }
0x88: {  	v1 =	vadd.f32 $8.388608000e+06, v1;
	v2 =	vmul.f32 $1.000000000e+02, v2;
	_ =	sdelay $0x1  }
0x89: {  	v1 =	vadd.f32 $-8.388608000e+06, v1;
	v2 =	vadd.f32 $8.388608000e+06, v2;
	_ =	sdelay $0x1  }
0x8a: {  	v1 =	vmul.f32 $1.000000000e+02, v1;
	v2 =	vadd.f32 $-8.388608000e+06, v2;
	_ =	sdelay $0x1  }
0x8b: {  	v1 =	vadd.f32 v2, v1;
	_ =	sdelay $0x1  }
0x8c: {  	v1 =	vadd.f32 $-1.010000000e+02, v1  }
0x8d: {  	v2 =	vadd.s32 s29, v0  }
0x8e: {  	v1 =	vtrunc.f32 v1  }
0x8f: {  	v1 =	vcvt.f32.s32 v1  }
0x90: {  	s0 =	sor.u32 s26, s31  }
0x91: {  	[tilespmem:s0+$0x0] =	vst v1  }
0x92: {  	v1 =	vld.idx.msk [tilespmem:v2+s3+$0x0], $0xffff  }
0x93: {  	v2 =	vld.idx.msk [tilespmem:v2+s12+$0x0], $0xffff;
	_ =	sdelay $0x4  }
0x94: {  	v1 =	vmax.f32 v1, $9.999999770e-03  }
0x95: {  	v1 =	vmin.f32 v1, $1.000000000e+00;
	v2 =	vmax.f32 v2, $9.999999770e-03  }
0x96: {  	v1 =	vmul.f32 $1.000000000e+02, v1;
	v2 =	vmin.f32 v2, $1.000000000e+00  }
0x97: {  	v2 =	vmul.f32 $1.000000000e+02, v2  }
0x98: {  	v1 =	vadd.f32 $8.388608000e+06, v1  }
0x99: {  	v2 =	vadd.f32 $8.388608000e+06, v2  }
0x9a: {  	v1 =	vadd.f32 $-8.388608000e+06, v1;
	_ =	sdelay $0x1  }
0x9b: {  	s25 =	sadd.s32 $0x4, s25;
	v2 =	vadd.f32 $-8.388608000e+06, v2;
	v1 =	vmul.f32 $1.000000000e+02, v1  }
0x9c: {  	s4 =	sshrl.u32 s24, $0x3;
	s0 =	sand.u32 $0x1C, s25  }
0x9d: {  	s5 =	smul.u32 $0xA0, s0;
	s1 =	sshll.u32 s0, $0x4;
	s6 =	sor.u32 $0x1, s0;
	v1 =	vadd.f32 v2, v1  }
0x9e: {  	s14 =	smul.u32 $0xA0, s6;
	s30 =	sshll.u32 s6, $0x4;
	s6 =	sor.u32 $0x2, s0  }
.Ltmp0:
0x9f: {  	s0 =	sor.u32 $0x3, s0;
	s5 =	sadd.s32 s4, s5;
	v2 =	vadd.f32 $-1.010000000e+02, v1;
	(pc) =	sbr.rel @p0 .LBB2_2-.Ltmp0, $4  }
0xa0: {  	s26 =	sshll.u32 s6, $0x4;
	s14 =	sadd.s32 s4, s14;
	v1 =	vadd.s32 s5, v0;
	s5 =	smul.u32 $0xA0, s6  }
0xa1: {  	s16 =	sshll.u32 s0, $0x4;
	s6 =	smul.u32 $0xA0, s0;
	v2 =	vtrunc.f32 v2  }
0xa2: {  	s0 =	sadd.s32 s4, s5;
	v2 =	vcvt.f32.s32 v2  }
0xa3: {  	s31 =	sor.u32 s23, s31;
	s23 =	smov.u32 s16;
	s29 =	sadd.s32 s4, s6  }
0xa4: {  	_ =	sdelay $0x2  }
0xa5: {  	[tilespmem:s31+$0x0] =	vst v2  }
0xa6: {  	v2 =	vld.idx.msk [tilespmem:v1+s3+$0x0], $0xffff;
	_ =	sdelay $0x1  }
0xa7: {  	v1 =	vld.idx.msk [tilespmem:v1+s12+$0x0], $0xffff;
	_ =	sdelay $0x2  }
0xa8: {  	v2 =	vmax.f32 v2, $9.999999770e-03  }
0xa9: {  	v2 =	vmin.f32 v2, $1.000000000e+00  }
0xaa: {  	v1 =	vmax.f32 v1, $9.999999770e-03;
	v2 =	vmul.f32 $1.000000000e+02, v2  }
0xab: {  	v1 =	vmin.f32 v1, $1.000000000e+00  }
0xac: {  	v1 =	vmul.f32 $1.000000000e+02, v1;
	v2 =	vadd.f32 $8.388608000e+06, v2;
	_ =	sdelay $0x1  }
0xad: {  	v1 =	vadd.f32 $8.388608000e+06, v1;
	v2 =	vadd.f32 $-8.388608000e+06, v2;
	_ =	sdelay $0x1  }
0xae: {  	v1 =	vadd.f32 $-8.388608000e+06, v1;
	v2 =	vmul.f32 $1.000000000e+02, v2;
	_ =	sdelay $0x1  }
0xaf: {  	v1 =	vadd.f32 v1, v2;
	_ =	sdelay $0x1  }
0xb0: {  	v1 =	vadd.f32 $-1.010000000e+02, v1  }
0xb1: {  	s4 =	sshll.u32 s24, $0x6;
	v2 =	vadd.s32 s14, v0  }
0xb2: {  	s4 =	sand.u32 $0x3FFFFE00, s4;
	v1 =	vtrunc.f32 v1  }
0xb3: {  	s4 =	sadd.s32 $0x2800, s4;
	v1 =	vcvt.f32.s32 v1  }
0xb4: {  	s1 =	sor.u32 s1, s4  }
0xb5: {  	[tilespmem:s1+$0x0] =	vst v1  }
0xb6: {  	v1 =	vld.idx.msk [tilespmem:v2+s3+$0x0], $0xffff;
	_ =	sdelay $0x1  }
0xb7: {  	v2 =	vld.idx.msk [tilespmem:v2+s12+$0x0], $0xffff;
	_ =	sdelay $0x2  }
0xb8: {  	v1 =	vmax.f32 v1, $9.999999770e-03  }
0xb9: {  	v1 =	vmin.f32 v1, $1.000000000e+00  }
0xba: {  	v2 =	vmax.f32 v2, $9.999999770e-03;
	v1 =	vmul.f32 $1.000000000e+02, v1  }
0xbb: {  	v2 =	vmin.f32 v2, $1.000000000e+00  }
0xbc: {  	v2 =	vmul.f32 $1.000000000e+02, v2;
	v1 =	vadd.f32 $8.388608000e+06, v1;
	_ =	sdelay $0x1  }
0xbd: {  	v2 =	vadd.f32 $8.388608000e+06, v2;
	v1 =	vadd.f32 $-8.388608000e+06, v1;
	_ =	sdelay $0x1  }
0xbe: {  	v2 =	vadd.f32 $-8.388608000e+06, v2;
	v1 =	vmul.f32 $1.000000000e+02, v1;
	_ =	sdelay $0x1  }
0xbf: {  	v1 =	vadd.f32 v2, v1;
	_ =	sdelay $0x1  }
0xc0: {  	v1 =	vadd.f32 $-1.010000000e+02, v1  }
0xc1: {  	v2 =	vadd.s32 s0, v0  }
0xc2: {  	v1 =	vtrunc.f32 v1  }
0xc3: {  	v1 =	vcvt.f32.s32 v1  }
0xc4: {  	s16 =	sor.u32 s30, s4  }
0xc5: {  	[tilespmem:s16+$0x0] =	vst v1  }
0xc6: {  	v1 =	vld.idx.msk [tilespmem:v2+s3+$0x0], $0xffff;
	_ =	sdelay $0x1  }
0xc7: {  	v2 =	vld.idx.msk [tilespmem:v2+s12+$0x0], $0xffff;
	_ =	sdelay $0x2  }
0xc8: {  	v1 =	vmax.f32 v1, $9.999999770e-03  }
0xc9: {  	v1 =	vmin.f32 v1, $1.000000000e+00  }
0xca: {  	v2 =	vmax.f32 v2, $9.999999770e-03;
	v1 =	vmul.f32 $1.000000000e+02, v1  }
0xcb: {  	v2 =	vmin.f32 v2, $1.000000000e+00  }
0xcc: {  	v2 =	vmul.f32 $1.000000000e+02, v2;
	v1 =	vadd.f32 $8.388608000e+06, v1;
	_ =	sdelay $0x1  }
0xcd: {  	v2 =	vadd.f32 $8.388608000e+06, v2;
	v1 =	vadd.f32 $-8.388608000e+06, v1;
	_ =	sdelay $0x1  }
0xce: {  	v2 =	vadd.f32 $-8.388608000e+06, v2;
	v1 =	vmul.f32 $1.000000000e+02, v1;
	_ =	sdelay $0x1  }
0xcf: {  	v1 =	vadd.f32 v2, v1;
	_ =	sdelay $0x1  }
0xd0: {  	v1 =	vadd.f32 $-1.010000000e+02, v1  }
0xd1: {  	v2 =	vadd.s32 s29, v0  }
0xd2: {  	v1 =	vtrunc.f32 v1  }
0xd3: {  	v1 =	vcvt.f32.s32 v1  }
0xd4: {  	s24 =	sor.u32 s26, s4  }
0xd5: {  	[tilespmem:s24+$0x0] =	vst v1  }
0xd6: {  	v1 =	vld.idx.msk [tilespmem:v2+s3+$0x0], $0xffff;
	_ =	sdelay $0x1  }
0xd7: {  	v2 =	vld.idx.msk [tilespmem:v2+s12+$0x0], $0xffff;
	_ =	sdelay $0x2  }
0xd8: {  	v1 =	vmax.f32 v1, $9.999999770e-03  }
0xd9: {  	v1 =	vmin.f32 v1, $1.000000000e+00  }
0xda: {  	v2 =	vmax.f32 v2, $9.999999770e-03;
	v1 =	vmul.f32 $1.000000000e+02, v1  }
0xdb: {  	v2 =	vmin.f32 v2, $1.000000000e+00  }
0xdc: {  	v2 =	vmul.f32 $1.000000000e+02, v2;
	v1 =	vadd.f32 $8.388608000e+06, v1;
	_ =	sdelay $0x1  }
0xdd: {  	v2 =	vadd.f32 $8.388608000e+06, v2;
	v1 =	vadd.f32 $-8.388608000e+06, v1;
	_ =	sdelay $0x1  }
0xde: {  	v2 =	vadd.f32 $-8.388608000e+06, v2;
	v1 =	vmul.f32 $1.000000000e+02, v1;
	_ =	sdelay $0x1  }
0xdf: {  	v1 =	vadd.f32 v2, v1;
	_ =	sdelay $0x1  }
0xe0: {  	v1 =	vadd.f32 $-1.010000000e+02, v1;
	_ =	sdelay $0x1  }
0xe1: {  	v1 =	vtrunc.f32 v1  }
0xe2: {  	v1 =	vcvt.f32.s32 v1  }
0xe3: {  	s25 =	sor.u32 s23, s4  }
0xe4: {  	s26 =	simm.s32 $0x2800;
	[tilespmem:s25+$0x0] =	vst v1  }
0xe5: {  	[tilespmem:s15], [sflag:$0x1] =	stream.indirect.gather [hbm4b:s2+s13], $0x80, s26, s13, $0xb8;
	[tilespmem:$0x13C00] =	vst v63  }
0xe6: {  	s28 =	simm.s32 $0x2900  }
0xe7: {  	[tilespmem:s17], [sflag:$0x2] =	stream.indirect.gather [hbm4b:s2+s13], $0x80, s28, s13, $0xb8;
	[tilespmem:$0x13C00] =	vst v63  }
0xe8: {  	_ =	swait.ge [sflag:s18], $0x8000  }
0xe9: {  	[sflag:s18] =	ssyncset.done $0x0  }
0xea: {  	s29 =	sadd.s32 $0x0, s10;
	[sflag:s18] =	ssyncadd.s32 $0xFFFF8000  }
0xeb: {  	[hbm4b:s29+s3] =	stream.linear.scatter [tilespmem:s15], [sflag:$0x3], $0x8000, $0x38;
	[tilespmem:$0x13C00] =	vst v63  }
0xec: {  	_ =	swait.ge [sflag:s19], $0x8000  }
0xed: {  	[sflag:s19] =	ssyncset.done $0x0  }
0xee: {  	s30 =	sadd.s32 $0x0, s9;
	[sflag:s19] =	ssyncadd.s32 $0xFFFF8000  }
0xef: {  	[hbm4b:s30+s3] =	stream.linear.scatter [tilespmem:s17], [sflag:$0x4], $0x8000, $0x38;
	[tilespmem:$0x13C00] =	vst v63  }
0xf0: {  	_ =	swait.ge [sflag:s20], $0x8000  }
0xf1: {  	[sflag:s20] =	ssyncset.done $0x0  }
0xf2: {  	s31 =	simm.s32 $0x2A00;
	[sflag:s20] =	ssyncadd.s32 $0xFFFF8000  }
0xf3: {  	[tilespmem:s15], [sflag:$0x1] =	stream.indirect.gather [hbm4b:s2+s13], $0x80, s31, s13, $0xb8;
	[tilespmem:$0x13C00] =	vst v63  }
0xf4: {  	_ =	swait.ge [sflag:s21], $0x8000  }
0xf5: {  	s14 =	simm.s32 $0x2B00;
	[sflag:s21] =	ssyncset.done $0x0  }
0xf6: {  	s1 =	simm.s32 $0x2C00;
	s0 =	simm.s32 $0x40000;
	[sflag:s21] =	ssyncadd.s32 $0xFFFF8000  }
.LBB2_4:
0xf7: {  	[tilespmem:s17], [sflag:$0x2] =	stream.indirect.gather [hbm4b:s2+s13], $0x80, s14, s13, $0xb8;
	[tilespmem:$0x13C00] =	vst v63  }
0xf8: {  	s4 =	smov.u32 s0  }
0xf9: {  	p0 =	sne.s32 s0, $0x200000;
	s0 =	sadd.s32 $0x40000, s0;
	_ =	swait.ge [sflag:s18], $0x8000  }
0xfa: {  	[sflag:s18] =	ssyncset.done $0x0  }
0xfb: {  	s5 =	sadd.s32 s4, s10;
	[sflag:s18] =	ssyncadd.s32 $0xFFFF8000  }
0xfc: {  	[hbm4b:s5+s3] =	stream.linear.scatter [tilespmem:s15], [sflag:$0x3], $0x8000, $0x38;
	[tilespmem:$0x13C00] =	vst v63  }
0xfd: {  	_ =	swait.ge [sflag:s19], $0x8000  }
0xfe: {  	[sflag:s19] =	ssyncset.done $0x0  }
0xff: {  	s4 =	sadd.s32 s4, s9;
	[sflag:s19] =	ssyncadd.s32 $0xFFFF8000  }
0x100: {  	[hbm4b:s4+s3] =	stream.linear.scatter [tilespmem:s17], [sflag:$0x4], $0x8000, $0x38;
	[tilespmem:$0x13C00] =	vst v63  }
0x101: {  	_ =	swait.ge [sflag:s20], $0x8000  }
0x102: {  	[sflag:s20] =	ssyncset.done $0x0  }
.Ltmp1:
0x103: {  	[sflag:s20] =	ssyncadd.s32 $0xFFFF8000;
	(pc) =	sbr.rel @p0 .LBB2_4-.Ltmp1, $4  }
0x104: {  	[tilespmem:s15], [sflag:$0x1] =	stream.indirect.gather [hbm4b:s2+s13], $0x80, s1, s13, $0xb8;
	[tilespmem:$0x13C00] =	vst v63  }
0x105: {  	_ =	swait.ge [sflag:s21], $0x8000  }
0x106: {  	[sflag:s21] =	ssyncset.done $0x0  }
0x107: {  	s14 =	sadd.s32 $0x100, s1;
	s1 =	sadd.s32 $0x200, s1;
	[sflag:s21] =	ssyncadd.s32 $0xFFFF8000  }
0x108: {  	[tilespmem:s17], [sflag:$0x2] =	stream.indirect.gather [hbm4b:s2+s13], $0x80, s14, s13, $0xb8;
	[tilespmem:$0x13C00] =	vst v63  }
0x109: {  	_ =	swait.ge [sflag:s18], $0x8000  }
0x10a: {  	[sflag:s18] =	ssyncset.done $0x0  }
0x10b: {  	s0 =	rddreg [dreg:$0x7];
	[sflag:s18] =	ssyncadd.s32 $0xFFFF8000  }
0x10c: {  	[hbm4b:s0+s3] =	stream.linear.scatter [tilespmem:s15], [sflag:$0x3], $0x8000, $0x38;
	[tilespmem:$0x13C00] =	vst v63  }
0x10d: {  	_ =	swait.ge [sflag:s19], $0x8000  }
0x10e: {  	[sflag:s19] =	ssyncset.done $0x0  }
0x10f: {  	s22 =	sadd.s32 $0x1, s22;
	[sflag:s19] =	ssyncadd.s32 $0xFFFF8000  }
0x110: {  	[hbm4b:s7+s3] =	stream.linear.scatter [tilespmem:s17], [sflag:$0x4], $0x8000, $0x38;
	[tilespmem:$0x13C00] =	vst v63  }
0x111: {  	p0 =	sne.s32 s22, s8;
	_ =	swait.ge [sflag:s20], $0x8000  }
.Ltmp2:
0x112: {  	[sflag:s20] =	ssyncset.done $0x0;
	(pc) =	sbr.rel @p0 .LBB2_1-.Ltmp2, $4  }
0x113: {  	[sflag:s20] =	ssyncadd.s32 $0xFFFF8000  }
0x114: {  	_ =	swait.ge [sflag:s21], $0x8000  }
0x115: {  	[sflag:s21] =	ssyncset.done $0x0  }
0x116: {  	[sflag:s21] =	ssyncadd.s32 $0xFFFF8000  }
0x117: {  	_ =	sfence.sel $0x180000  }
0x118: {  	[bflag:$0x0] =	sbarrier.arrive $0xFFFF  }
0x119: {  	_ =	strace $0x90000047  }
0x11a: {  	s0 =	stileid.u32;
	[bflag:$0x2] =	sbarrier.arrive $0xFFFF  }
0x11b: {  	p0 =	sne.s32 s0, $0x0;
	s0 =	rddreg [dreg:$0x4]  }
0x11c: {  	s0 =	sadd.s32 @!p0 $0x100000, s0  }
0x11d: {  	[sflag:s0] =	ssyncadd.tile.s32 @!p0 $0x1;
	_ =	shalt  }
.Lfunc_end2:
_tile_overlayer_lowered:
.L_overlay_start_2:
0x11e: {  	(tag) =	ssettag $0x2  }
0x11f: {  	s0 =	rddreg [dreg:$0x0];
	s2 =	stileid.u32  }
0x120: {  	s1 =	rddreg [dreg:$0x1];
	p0 =	sne.s32 s2, $0x0  }
0x121: {  	s3 =	rddreg [dreg:$0x2];
	[bflag:$0x3] =	sbarrier.arrive $0xFFFF;
	s2 =	simm.s32 @!p0 $0x1C05  }
0x122: {  	[timem:s3], [sflag:s2] =	dma.local @!p0 [hbm:s0], s1  }
0x123: {  	s0 =	simm.s32 @!p0 $0x5  }
0x124: {  	_ =	swait.ge @!p0 [sflag:s0], s1  }
0x125: {  	s1 =	ssub.s32 @!p0 $0x0, s1;
	[sflag:s0] =	ssyncset.done @!p0 $0x0  }
0x126: {  	[sflag:s0] =	ssyncadd.s32 @!p0 s1  }
0x127: {  	[bflag:$0x3] =	sbarrier.arrive $0xFFFF  }
0x128: {  	_ =	shalt  }

</sc_bundles>
